<compile_context>
chip_gen: v7x
topology: tpu7x:2x2x1
jax: 0.10.2.dev20260603
libtpu: 0.0.44.dev20260713+nightly
codegen_flags: <defaults>
</compile_context>

<pallas_src>
import jax
import jax.numpy as jnp
from jax.experimental import pallas as pl
from jax.experimental.pallas import tpu as pltpu
from jax.experimental.pallas import tpu_sc as plsc

B, C_IN, C_OUT, N, M, K = 8, 64, 64, 8192, 512, 8
BLK_N = 2048
GATHER_WINDOW = 128


def _sc_gather_rows(rows, idx):
    n_idx = idx.shape[1]

    @pl.kernel(
        out_type=jax.ShapeDtypeStruct((n_idx, rows.shape[1]), rows.dtype),
        mesh=plsc.VectorSubcoreMesh(core_axis_name="core",
                                    subcore_axis_name="subcore"))
    def gather_kernel(x_hbm, i_hbm, o_hbm):
        def body(i_vmem, o_vmem):
            pltpu.sync_copy(x_hbm.at[i_vmem.at[0]], o_vmem)

        pltpu.emit_pipeline(
            body,
            grid=(n_idx // GATHER_WINDOW,),
            in_specs=[pl.BlockSpec((1, GATHER_WINDOW),
                                   index_map=lambda i: (0, i))],
            out_specs=[pl.BlockSpec((GATHER_WINDOW, rows.shape[1]),
                                    index_map=lambda i: (i, 0))],
            core_axis_name="subcore",
            dimension_semantics=(pltpu.PARALLEL,),
        )(i_hbm, o_hbm)

    return gather_kernel(rows, idx)


def _knn_conv_kernel(x_ref, y_ref, z_ref, par_ref, wt_ref, bias_ref, out_ref,
                     u_ref, yn_ref):
    i = pl.program_id(1)

    @pl.when(i == 0)
    def _prep():
        yv = y_ref[0]
        norm = jnp.sqrt(jnp.sum(yv * yv, axis=0, keepdims=True))
        yn_ref[...] = (yv / jnp.clip(norm, 1e-12, None)).astype(jnp.bfloat16)
        zpair = z_ref[0]
        zv = jnp.where(par_ref[...] > 0, zpair[:, C_IN:], zpair[:, :C_IN])
        zv = zv.astype(jnp.bfloat16)
        for k in range(1, K):
            u = jax.lax.dot_general(
                wt_ref[k].astype(jnp.bfloat16), zv, (((1,), (1,)), ((), ())),
                preferred_element_type=jnp.float32)
            uhi = u.astype(jnp.bfloat16)
            u_ref[k - 1, :C_OUT] = uhi
            u_ref[k - 1, C_OUT:] = (u - uhi.astype(jnp.float32)).astype(jnp.bfloat16)

    xb = x_ref[0]
    xnorm = jnp.sqrt(jnp.sum(xb * xb, axis=0, keepdims=True))
    xn = (xb / jnp.clip(xnorm, 1e-12, None)).astype(jnp.bfloat16)
    sim = jax.lax.dot_general(
        yn_ref[...], xn, (((0,), (0,)), ((), ())),
        preferred_element_type=jnp.float32)
    acc = jax.lax.dot_general(
        wt_ref[0].astype(jnp.bfloat16), xb.astype(jnp.bfloat16),
        (((1,), (0,)), ((), ())),
        preferred_element_type=jnp.float32) + bias_ref[...]

    iota_m = jax.lax.broadcasted_iota(
        jnp.int32, (M, BLK_N), 0).astype(jnp.float32)
    fm = jnp.float32(M)
    for k in range(K - 1):
        mx = jnp.max(sim, axis=0, keepdims=True)
        t = jnp.where(sim == mx, iota_m, fm)
        cmin = jnp.min(t, axis=0, keepdims=True)
        onehot = t == cmin
        oh = onehot.astype(jnp.bfloat16)
        hilo = jax.lax.dot_general(
            u_ref[k], oh, (((1,), (0,)), ((), ())),
            preferred_element_type=jnp.float32)
        acc = acc + hilo[:C_OUT] + hilo[C_OUT:]
        if k < K - 2:
            sim = jnp.where(onehot, -1e30, sim)

    out_ref[0] = acc


@jax.jit
def kernel(x, y, indices, W, b):
    xt_pairs = jnp.swapaxes(x, 1, 2).reshape(B * N // 2, 2 * C_IN)
    idx32 = indices.astype(jnp.int32)
    flat_idx = (idx32[None, :] +
                (jnp.arange(B, dtype=jnp.int32) * N)[:, None])
    pair_idx = (flat_idx // 2).reshape(1, B * M)
    parity = (idx32 % 2).astype(jnp.float32).reshape(M, 1)
    zt = _sc_gather_rows(xt_pairs, pair_idx).reshape(B, M, 2 * C_IN)
    wt = jnp.transpose(W, (2, 0, 1))
    bias = b.reshape(C_OUT, 1)

    grid = (B, N // BLK_N)
    out = pl.pallas_call(
        _knn_conv_kernel,
        grid=grid,
        in_specs=[
            pl.BlockSpec((1, C_IN, BLK_N), lambda bb, ii: (bb, 0, ii)),
            pl.BlockSpec((1, C_IN, M), lambda bb, ii: (bb, 0, 0)),
            pl.BlockSpec((1, M, 2 * C_IN), lambda bb, ii: (bb, 0, 0)),
            pl.BlockSpec((M, 1), lambda bb, ii: (0, 0)),
            pl.BlockSpec((K, C_OUT, C_IN), lambda bb, ii: (0, 0, 0)),
            pl.BlockSpec((C_OUT, 1), lambda bb, ii: (0, 0)),
        ],
        out_specs=pl.BlockSpec((1, C_OUT, BLK_N), lambda bb, ii: (bb, 0, ii)),
        out_shape=jax.ShapeDtypeStruct((B, C_OUT, N), jnp.float32),
        scratch_shapes=[
            pltpu.VMEM((K - 1, 2 * C_OUT, M), jnp.bfloat16),
            pltpu.VMEM((C_IN, M), jnp.bfloat16),
        ],
        compiler_params=pltpu.CompilerParams(
            dimension_semantics=("parallel", "arbitrary")),
    )(x, y, zt, parity, wt, bias)
    return out

# --- scband reference (transcript-rebuilt; emitter-appended) ---
"""Pipeline reference for scband-conv1d-nn-spatial-44976897523805 (READ-ONLY COPY).

The authoritative reference and input builder live on the scoring server;
editing this copy changes nothing except your own understanding.
"""

import jax, jax.numpy as jnp
import numpy as np

B, C_IN, C_OUT, N, M, K = 8, 64, 64, 8192, 512, 8


def setup_inputs(seed: int = 0) -> dict:
    key = jax.random.key(seed)
    k1, k2, k3, k4, k5 = jax.random.split(key, 5)
    x = jax.random.normal(k1, (B, C_IN, N), dtype=jnp.float32)
    y = jax.random.normal(k2, (B, C_IN, M), dtype=jnp.float32)
    indices = jax.random.randint(k3, (M,), 0, N)
    W = jax.random.normal(k4, (C_OUT, C_IN, K), dtype=jnp.float32) * 0.05
    b = jax.random.normal(k5, (C_OUT,), dtype=jnp.float32) * 0.05
    return {"x": x, "y": y, "indices": indices, "W": W, "b": b}


def reference(x, y, indices, W, b):
    # similarity matrix: normalize along channel dim then bmm
    xn = x / jnp.clip(jnp.linalg.norm(x, axis=1, keepdims=True), 1e-12, None)
    yn = y / jnp.clip(jnp.linalg.norm(y, axis=1, keepdims=True), 1e-12, None)
    sim = jnp.einsum('bcn,bcm->bnm', xn, yn)  # [B, N, M]
    # top-(K-1) nearest neighbors among the M spatial samples (largest=True for similarity)
    _, topk_ind = jax.lax.top_k(sim, K - 1)  # [B, N, K-1]
    mapped = jnp.take(indices, topk_ind, axis=0)  # map sample idx -> full spatial idx
    idx0 = jnp.broadcast_to(jnp.arange(N)[None, :, None], (x.shape[0], N, 1))
    final = jnp.concatenate([idx0, mapped], axis=2)  # [B, N, K]
    # gather neighbors: per-batch matrix[:, final] -> [B, C, N, K]
    neigh = jax.vmap(lambda m, f: m[:, f])(x, final)
    prime = neigh.reshape(x.shape[0], x.shape[1], N * K)
    out = jax.lax.conv_general_dilated(prime, W, window_strides=(K,), padding='VALID', dimension_numbers=('NCH', 'OIH', 'NCH'))
    out = out + b[None, :, None]
    return out

if __name__ == "__main__":
    import jax
    _d = setup_inputs()
    print(jax.jit(kernel)(*tuple(_d.values())))

</pallas_src>

<mosaic_0001>
#map = affine_map<(d0, d1) -> (0, 0)>
module attributes {stable_mosaic.version = 14 : i64} {
  func.func @gather_kernel(%arg0: i32, %arg1: i32, %arg2: memref<32768x128xf32, #tpu.memory_space<hbm>>, %arg3: memref<1x4096xi32, #tpu.memory_space<hbm>>, %arg4: memref<4096x128xf32, #tpu.memory_space<hbm>>) attributes {dimension_semantics = [#tpu.dimension_semantics<core_parallel>, #tpu.dimension_semantics<subcore_parallel>], iteration_bounds = array<i64: 2, 16>, scalar_prefetch = 0 : i64, scratch_operands = 0 : i64, tpu.core_type = #tpu.core_type<sc_vector_subcore>, window_params = [{transform_indices = #map}, {transform_indices = #map}, {transform_indices = #map}]} {
    %mul3A = arith.constant 2 : i32
    %mul3A_0 = arith.muli %arg1, %mul3A : i32
    "tpu.region"() ({
      %run_scoped3A = memref.alloca() : memref<2x1x128xi32, #tpu.memory_space<vmem>>
      %run_scoped3A_1 = tpu.sem_alloc : memref<2x!tpu.dma_semaphore, #tpu.memory_space<semaphore_mem>>
      %run_scoped3A_2 = memref.alloca() : memref<2x128x128xf32, #tpu.memory_space<vmem>>
      %run_scoped3A_3 = tpu.sem_alloc : memref<2x!tpu.dma_semaphore, #tpu.memory_space<semaphore_mem>>
      %add3A = arith.constant 0 : i32
      %add3A_4 = arith.addi %add3A, %mul3A_0 : i32
      %select_n3A = arith.constant true
      %select_n3A_5 = arith.constant 0 : i32
      %select_n3A_6 = arith.constant -1 : i32
      %select_n3A_7 = arith.select %select_n3A, %select_n3A_6, %select_n3A_5 : i32
      %eq3A = arith.constant -1 : i32
      %eq3A_8 = arith.cmpi eq, %select_n3A_7, %eq3A : i32
      %select_n3A_9 = arith.constant 1 : i32
      %select_n3A_10 = arith.select %eq3A_8, %select_n3A_9, %select_n3A_7 : i32
      %add3A_11 = arith.addi %select_n3A_10, %mul3A_0 : i32
      %select_n3A_12 = arith.constant true
      %select_n3A_13 = arith.constant 0 : i32
      %select_n3A_14 = arith.constant 1 : i32
      %select_n3A_15 = arith.select %select_n3A_12, %select_n3A_14, %select_n3A_13 : i32
      %eq3A_16 = arith.constant 2 : i32
      %eq3A_17 = arith.cmpi eq, %select_n3A_15, %eq3A_16 : i32
      %select_n3A_18 = arith.constant 0 : i32
      %select_n3A_19 = arith.select %eq3A_17, %select_n3A_18, %select_n3A_15 : i32
      %add3A_20 = arith.addi %select_n3A_19, %mul3A_0 : i32
      %add3A_21 = arith.constant 1 : i32
      %add3A_22 = arith.addi %select_n3A_19, %add3A_21 : i32
      %select_n3A_23 = arith.constant true
      %select_n3A_24 = arith.select %select_n3A_23, %add3A_22, %select_n3A_19 : i32
      %eq3A_25 = arith.constant 2 : i32
      %eq3A_26 = arith.cmpi eq, %select_n3A_24, %eq3A_25 : i32
      %select_n3A_27 = arith.constant 0 : i32
      %select_n3A_28 = arith.select %eq3A_26, %select_n3A_27, %select_n3A_24 : i32
      %add3A_29 = arith.addi %select_n3A_28, %mul3A_0 : i32
      "tpu.trace_start"() <{level = 10 : i32, message = "ep_initialize_0"}> : () -> ()
      %rem3A = arith.constant 0 : i32
      %rem3A_30 = arith.constant 2 : i32
      %rem3A_31 = arith.remui %rem3A, %rem3A_30 : i32
      %mul3A_32 = arith.constant 128 : i32
      %mul3A_33 = arith.muli %mul3A_32, %add3A_4 : i32
      %dma_start3A = arith.constant 0 : i32
      %dma_start3A_34 = arith.constant 0 : i32
      %dma_start3A_35 = tpu.memref_slice %run_scoped3A[%rem3A_31, %dma_start3A, %dma_start3A_34] : memref<2x1x128xi32, #tpu.memory_space<vmem>> -> memref<1x1x128xi32, #tpu.memory_space<vmem>>
      %dma_start3A_36 = tpu.memref_squeeze %dma_start3A_35 : memref<1x1x128xi32, #tpu.memory_space<vmem>> -> memref<1x128xi32, #tpu.memory_space<vmem>>
      %dma_start3A_37 = arith.constant 0 : i32
      %dma_start3A_38 = tpu.memref_slice %arg3[%dma_start3A_37, %mul3A_33] : memref<1x4096xi32, #tpu.memory_space<hbm>> -> memref<1x128xi32, #tpu.memory_space<hbm>>
      %dma_start3A_39 = tpu.memref_slice %run_scoped3A_1[%rem3A_31] : memref<2x!tpu.dma_semaphore, #tpu.memory_space<semaphore_mem>> -> memref<1x!tpu.dma_semaphore, #tpu.memory_space<semaphore_mem>>
      %dma_start3A_40 = tpu.memref_squeeze %dma_start3A_39 : memref<1x!tpu.dma_semaphore, #tpu.memory_space<semaphore_mem>> -> memref<!tpu.dma_semaphore, #tpu.memory_space<semaphore_mem>>
      %dma_start3A_41 = arith.constant 0 : i32
      %dma_start3A_42 = arith.constant 0 : i32
      %dma_start3A_43 = tpu.memref_slice %run_scoped3A[%rem3A_31, %dma_start3A_41, %dma_start3A_42] : memref<2x1x128xi32, #tpu.memory_space<vmem>> -> memref<1x1x128xi32, #tpu.memory_space<vmem>>
      %dma_start3A_44 = tpu.memref_squeeze %dma_start3A_43 : memref<1x1x128xi32, #tpu.memory_space<vmem>> -> memref<1x128xi32, #tpu.memory_space<vmem>>
      %dma_start3A_45 = arith.constant 0 : i32
      %dma_start3A_46 = tpu.memref_slice %arg3[%dma_start3A_45, %mul3A_33] : memref<1x4096xi32, #tpu.memory_space<hbm>> -> memref<1x128xi32, #tpu.memory_space<hbm>>
      tpu.enqueue_dma source(%dma_start3A_46 : memref<1x128xi32, #tpu.memory_space<hbm>>) target(%dma_start3A_44 : memref<1x128xi32, #tpu.memory_space<vmem>>) target_semaphore(%dma_start3A_40 : memref<!tpu.dma_semaphore, #tpu.memory_space<semaphore_mem>>)
      %add3A_47 = arith.constant 0 : i32
      %add3A_48 = arith.constant 1 : i32
      %add3A_49 = arith.addi %add3A_47, %add3A_48 : i32
      %select_n3A_50 = arith.constant true
      %select_n3A_51 = arith.constant 0 : i32
      %select_n3A_52 = arith.select %select_n3A_50, %add3A_49, %select_n3A_51 : i32
      "tpu.trace_stop"() : () -> ()
      %scan3A = arith.constant 0 : i32
      %scan3A_53 = arith.constant 0 : i32
      %scan3A_54 = arith.constant 0 : i32
      %scan3A_55 = arith.constant 0 : i32
      %scan3A_56 = arith.constant 0 : i32
      %scan3A_57 = arith.constant 2 : i32
      %scan3A_58 = arith.addi %scan3A_56, %scan3A_57 : i32
      %scan3A_59 = arith.constant 1 : i32
      %scan3A_60:5 = scf.for %scan3A_114 = %scan3A_56 to %scan3A_58 step %scan3A_59 iter_args(%scan3A_115 = %select_n3A_52, %scan3A_116 = %scan3A, %scan3A_117 = %scan3A_53, %scan3A_118 = %scan3A_54, %scan3A_119 = %scan3A_55) -> (i32, i32, i32, i32, i32)  : i32 {
        %eq3A_120 = arith.constant 0 : i32
        %eq3A_121 = arith.cmpi eq, %scan3A_114, %eq3A_120 : i32
        %eq3A_122 = arith.constant 1 : i32
        %eq3A_123 = arith.cmpi eq, %scan3A_114, %eq3A_122 : i32
        %add3A_124 = arith.addi %scan3A_119, %mul3A_0 : i32
        %sub3A_125 = arith.constant 1 : i32
        %sub3A_126 = arith.subi %scan3A_119, %sub3A_125 : i32
        %select_n3A_127 = arith.constant true
        %select_n3A_128 = arith.select %select_n3A_127, %sub3A_126, %scan3A_119 : i32
        %eq3A_129 = arith.constant -1 : i32
        %eq3A_130 = arith.cmpi eq, %select_n3A_128, %eq3A_129 : i32
        %select_n3A_131 = arith.constant 1 : i32
        %select_n3A_132 = arith.select %eq3A_130, %select_n3A_131, %select_n3A_128 : i32
        %add3A_133 = arith.addi %select_n3A_132, %mul3A_0 : i32
        %add3A_134 = arith.constant 1 : i32
        %add3A_135 = arith.addi %scan3A_119, %add3A_134 : i32
        %select_n3A_136 = arith.constant true
        %select_n3A_137 = arith.select %select_n3A_136, %add3A_135, %scan3A_119 : i32
        %eq3A_138 = arith.constant 2 : i32
        %eq3A_139 = arith.cmpi eq, %select_n3A_137, %eq3A_138 : i32
        %select_n3A_140 = arith.constant 0 : i32
        %select_n3A_141 = arith.select %eq3A_139, %select_n3A_140, %select_n3A_137 : i32
        %add3A_142 = arith.addi %select_n3A_141, %mul3A_0 : i32
        %add3A_143 = arith.constant 1 : i32
        %add3A_144 = arith.addi %select_n3A_141, %add3A_143 : i32
        %select_n3A_145 = arith.constant true
        %select_n3A_146 = arith.select %select_n3A_145, %add3A_144, %select_n3A_141 : i32
        %eq3A_147 = arith.constant 2 : i32
        %eq3A_148 = arith.cmpi eq, %select_n3A_146, %eq3A_147 : i32
        %select_n3A_149 = arith.constant 0 : i32
        %select_n3A_150 = arith.select %eq3A_148, %select_n3A_149, %select_n3A_146 : i32
        %add3A_151 = arith.addi %select_n3A_150, %mul3A_0 : i32
        %ne3A = arith.cmpi ne, %add3A_124, %add3A_142 : i32
        %or3A = arith.constant false
        %or3A_152 = arith.ori %or3A, %ne3A : i1
        %ge3A = arith.constant 1 : i32
        %ge3A_153 = arith.cmpi sge, %scan3A_114, %ge3A : i32
        %not3A = arith.constant true
        %not3A_154 = arith.xori %ge3A_153, %not3A : i1
        %and3A = arith.andi %or3A_152, %not3A_154 : i1
        %convert_element_type3A = arith.extui %and3A : i1 to i32
        %cond3A = arith.constant 0 : i32
        %cond3A_155 = arith.cmpi ne, %convert_element_type3A, %cond3A : i32
        scf.if %cond3A_155 {
          "tpu.trace_start"() <{level = 10 : i32, message = "ep_copy_in"}> : () -> ()
          %rem3A_257 = arith.constant 2 : i32
          %rem3A_258 = arith.remui %scan3A_115, %rem3A_257 : i32
          %mul3A_259 = arith.constant 128 : i32
          %mul3A_260 = arith.muli %mul3A_259, %add3A_142 : i32
          %dma_start3A_261 = arith.constant 0 : i32
          %dma_start3A_262 = arith.constant 0 : i32
          %dma_start3A_263 = tpu.memref_slice %run_scoped3A[%rem3A_258, %dma_start3A_261, %dma_start3A_262] : memref<2x1x128xi32, #tpu.memory_space<vmem>> -> memref<1x1x128xi32, #tpu.memory_space<vmem>>
          %dma_start3A_264 = tpu.memref_squeeze %dma_start3A_263 : memref<1x1x128xi32, #tpu.memory_space<vmem>> -> memref<1x128xi32, #tpu.memory_space<vmem>>
          %dma_start3A_265 = arith.constant 0 : i32
          %dma_start3A_266 = tpu.memref_slice %arg3[%dma_start3A_265, %mul3A_260] : memref<1x4096xi32, #tpu.memory_space<hbm>> -> memref<1x128xi32, #tpu.memory_space<hbm>>
          %dma_start3A_267 = tpu.memref_slice %run_scoped3A_1[%rem3A_258] : memref<2x!tpu.dma_semaphore, #tpu.memory_space<semaphore_mem>> -> memref<1x!tpu.dma_semaphore, #tpu.memory_space<semaphore_mem>>
          %dma_start3A_268 = tpu.memref_squeeze %dma_start3A_267 : memref<1x!tpu.dma_semaphore, #tpu.memory_space<semaphore_mem>> -> memref<!tpu.dma_semaphore, #tpu.memory_space<semaphore_mem>>
          %dma_start3A_269 = arith.constant 0 : i32
          %dma_start3A_270 = arith.constant 0 : i32
          %dma_start3A_271 = tpu.memref_slice %run_scoped3A[%rem3A_258, %dma_start3A_269, %dma_start3A_270] : memref<2x1x128xi32, #tpu.memory_space<vmem>> -> memref<1x1x128xi32, #tpu.memory_space<vmem>>
          %dma_start3A_272 = tpu.memref_squeeze %dma_start3A_271 : memref<1x1x128xi32, #tpu.memory_space<vmem>> -> memref<1x128xi32, #tpu.memory_space<vmem>>
          %dma_start3A_273 = arith.constant 0 : i32
          %dma_start3A_274 = tpu.memref_slice %arg3[%dma_start3A_273, %mul3A_260] : memref<1x4096xi32, #tpu.memory_space<hbm>> -> memref<1x128xi32, #tpu.memory_space<hbm>>
          tpu.enqueue_dma source(%dma_start3A_274 : memref<1x128xi32, #tpu.memory_space<hbm>>) target(%dma_start3A_272 : memref<1x128xi32, #tpu.memory_space<vmem>>) target_semaphore(%dma_start3A_268 : memref<!tpu.dma_semaphore, #tpu.memory_space<semaphore_mem>>)
          "tpu.trace_stop"() : () -> ()
        } else {
        }
        %and3A_156 = arith.constant true
        %and3A_157 = arith.andi %and3A, %and3A_156 : i1
        %add3A_158 = arith.constant 1 : i32
        %add3A_159 = arith.addi %scan3A_115, %add3A_158 : i32
        %select_n3A_160 = arith.select %and3A_157, %add3A_159, %scan3A_115 : i32
        %ne3A_161 = arith.cmpi ne, %add3A_124, %add3A_142 : i32
        %or3A_162 = arith.constant false
        %or3A_163 = arith.ori %or3A_162, %ne3A_161 : i1
        %or3A_164 = arith.constant false
        %or3A_165 = arith.ori %or3A_163, %or3A_164 : i1
        %ge3A_166 = arith.constant 1 : i32
        %ge3A_167 = arith.cmpi sge, %scan3A_114, %ge3A_166 : i32
        %not3A_168 = arith.constant true
        %not3A_169 = arith.xori %ge3A_167, %not3A_168 : i1
        %and3A_170 = arith.andi %or3A_165, %not3A_169 : i1
        %ne3A_171 = arith.cmpi ne, %add3A_124, %add3A_133 : i32
        %or3A_172 = arith.constant false
        %or3A_173 = arith.ori %or3A_172, %ne3A_171 : i1
        %or3A_174 = arith.ori %or3A_173, %eq3A_121 : i1
        %convert_element_type3A_175 = arith.extui %or3A_174 : i1 to i32
        %cond3A_176 = arith.constant 0 : i32
        %cond3A_177 = arith.cmpi ne, %convert_element_type3A_175, %cond3A_176 : i32
        scf.if %cond3A_177 {
          "tpu.trace_start"() <{level = 10 : i32, message = "ep_wait_in"}> : () -> ()
          %mul3A_257 = arith.constant 128 : i32
          %mul3A_258 = arith.muli %mul3A_257, %add3A_124 : i32
          %rem3A_259 = arith.constant 2 : i32
          %rem3A_260 = arith.remui %scan3A_116, %rem3A_259 : i32
          %dma_wait3A_261 = arith.constant 0 : i32
          %dma_wait3A_262 = arith.constant 0 : i32
          %dma_wait3A_263 = tpu.memref_slice %run_scoped3A[%rem3A_260, %dma_wait3A_261, %dma_wait3A_262] : memref<2x1x128xi32, #tpu.memory_space<vmem>> -> memref<1x1x128xi32, #tpu.memory_space<vmem>>
          %dma_wait3A_264 = tpu.memref_squeeze %dma_wait3A_263 : memref<1x1x128xi32, #tpu.memory_space<vmem>> -> memref<1x128xi32, #tpu.memory_space<vmem>>
          %dma_wait3A_265 = arith.constant 0 : i32
          %dma_wait3A_266 = tpu.memref_slice %arg3[%dma_wait3A_265, %mul3A_258] : memref<1x4096xi32, #tpu.memory_space<hbm>> -> memref<1x128xi32, #tpu.memory_space<hbm>>
          %dma_wait3A_267 = tpu.memref_slice %run_scoped3A_1[%rem3A_260] : memref<2x!tpu.dma_semaphore, #tpu.memory_space<semaphore_mem>> -> memref<1x!tpu.dma_semaphore, #tpu.memory_space<semaphore_mem>>
          %dma_wait3A_268 = tpu.memref_squeeze %dma_wait3A_267 : memref<1x!tpu.dma_semaphore, #tpu.memory_space<semaphore_mem>> -> memref<!tpu.dma_semaphore, #tpu.memory_space<semaphore_mem>>
          %dma_wait3A_269 = arith.constant 0 : i32
          %dma_wait3A_270 = arith.constant 0 : i32
          %dma_wait3A_271 = tpu.memref_slice %run_scoped3A[%rem3A_260, %dma_wait3A_269, %dma_wait3A_270] : memref<2x1x128xi32, #tpu.memory_space<vmem>> -> memref<1x1x128xi32, #tpu.memory_space<vmem>>
          %dma_wait3A_272 = tpu.memref_squeeze %dma_wait3A_271 : memref<1x1x128xi32, #tpu.memory_space<vmem>> -> memref<1x128xi32, #tpu.memory_space<vmem>>
          %dma_wait3A_273 = arith.constant 0 : i32
          %dma_wait3A_274 = tpu.memref_slice %arg3[%dma_wait3A_273, %mul3A_258] : memref<1x4096xi32, #tpu.memory_space<hbm>> -> memref<1x128xi32, #tpu.memory_space<hbm>>
          tpu.wait_dma2 semaphore(%dma_wait3A_268 : memref<!tpu.dma_semaphore, #tpu.memory_space<semaphore_mem>>) src(%dma_wait3A_274 : memref<1x128xi32, #tpu.memory_space<hbm>>) dst(%dma_wait3A_272 : memref<1x128xi32, #tpu.memory_space<vmem>>)
          "tpu.trace_stop"() : () -> ()
        } else {
        }
        %ne3A_178 = arith.cmpi ne, %add3A_124, %add3A_133 : i32
        %or3A_179 = arith.constant false
        %or3A_180 = arith.ori %or3A_179, %ne3A_178 : i1
        %or3A_181 = arith.constant false
        %or3A_182 = arith.ori %or3A_180, %or3A_181 : i1
        %or3A_183 = arith.ori %or3A_182, %eq3A_121 : i1
        %convert_element_type3A_184 = arith.extui %or3A_183 : i1 to i32
        %cond3A_185 = arith.constant 0 : i32
        %cond3A_186 = arith.cmpi ne, %convert_element_type3A_184, %cond3A_185 : i32
        scf.if %cond3A_186 {
        } else {
        }
        %rem3A_187 = arith.constant 2 : i32
        %rem3A_188 = arith.remui %scan3A_116, %rem3A_187 : i32
        %rem3A_189 = arith.constant 2 : i32
        %rem3A_190 = arith.remui %scan3A_117, %rem3A_189 : i32
        %run_scoped3A_191 = arith.constant 0 : i32
        "tpu.trace_start"() <{level = 10 : i32, message = "ep_run_kernel"}> : () -> ()
        "tpu.region"() ({
          %run_scoped3A_257 = tpu.sem_alloc : memref<!tpu.dma_semaphore, #tpu.memory_space<semaphore_mem>>
          %dma_start3A_258 = arith.constant 0 : i32
          %dma_start3A_259 = arith.constant 0 : i32
          %dma_start3A_260 = tpu.memref_slice %run_scoped3A_2[%rem3A_190, %dma_start3A_258, %dma_start3A_259] : memref<2x128x128xf32, #tpu.memory_space<vmem>> -> memref<1x128x128xf32, #tpu.memory_space<vmem>>
          %dma_start3A_261 = tpu.memref_squeeze %dma_start3A_260 : memref<1x128x128xf32, #tpu.memory_space<vmem>> -> memref<128x128xf32, #tpu.memory_space<vmem>>
          %dma_start3A_262 = arith.constant 0 : i32
          %dma_start3A_263 = arith.constant 0 : i32
          %dma_start3A_264 = tpu.memref_slice %run_scoped3A[%rem3A_188, %dma_start3A_262, %dma_start3A_263] : memref<2x1x128xi32, #tpu.memory_space<vmem>> -> memref<1x1x128xi32, #tpu.memory_space<vmem>>
          %dma_start3A_265 = tpu.memref_squeeze %dma_start3A_264 : memref<1x1x128xi32, #tpu.memory_space<vmem>> -> memref<1x128xi32, #tpu.memory_space<vmem>>
          %dma_start3A_266 = arith.constant 0 : i32
          %dma_start3A_267 = tpu.memref_slice %dma_start3A_265[%run_scoped3A_191, %dma_start3A_266] : memref<1x128xi32, #tpu.memory_space<vmem>> -> memref<1x128xi32, #tpu.memory_space<vmem>>
          %dma_start3A_268 = tpu.memref_squeeze %dma_start3A_267 : memref<1x128xi32, #tpu.memory_space<vmem>> -> memref<128xi32, #tpu.memory_space<vmem>>
          %dma_start3A_269 = arith.constant 0 : i32
          %dma_start3A_270 = arith.constant 0 : i32
          %dma_start3A_271 = tpu.memref_slice %arg2[%dma_start3A_269, %dma_start3A_270] : memref<32768x128xf32, #tpu.memory_space<hbm>> -> memref<32768x128xf32, #tpu.memory_space<hbm>>
          tpu.enqueue_indirect_dma source(%dma_start3A_271 : memref<32768x128xf32, #tpu.memory_space<hbm>>) target(%dma_start3A_261 : memref<128x128xf32, #tpu.memory_space<vmem>>) offsets(%dma_start3A_268 : memref<128xi32, #tpu.memory_space<vmem>>) semaphore(%run_scoped3A_257 : memref<!tpu.dma_semaphore, #tpu.memory_space<semaphore_mem>>)
          %dma_wait3A_272 = arith.constant 0 : i32
          %dma_wait3A_273 = arith.constant 0 : i32
          %dma_wait3A_274 = tpu.memref_slice %run_scoped3A_2[%rem3A_190, %dma_wait3A_272, %dma_wait3A_273] : memref<2x128x128xf32, #tpu.memory_space<vmem>> -> memref<1x128x128xf32, #tpu.memory_space<vmem>>
          %dma_wait3A_275 = tpu.memref_squeeze %dma_wait3A_274 : memref<1x128x128xf32, #tpu.memory_space<vmem>> -> memref<128x128xf32, #tpu.memory_space<vmem>>
          %dma_wait3A_276 = arith.constant 0 : i32
          %dma_wait3A_277 = arith.constant 0 : i32
          %dma_wait3A_278 = tpu.memref_slice %run_scoped3A[%rem3A_188, %dma_wait3A_276, %dma_wait3A_277] : memref<2x1x128xi32, #tpu.memory_space<vmem>> -> memref<1x1x128xi32, #tpu.memory_space<vmem>>
          %dma_wait3A_279 = tpu.memref_squeeze %dma_wait3A_278 : memref<1x1x128xi32, #tpu.memory_space<vmem>> -> memref<1x128xi32, #tpu.memory_space<vmem>>
          %dma_wait3A_280 = arith.constant 0 : i32
          %dma_wait3A_281 = tpu.memref_slice %dma_wait3A_279[%run_scoped3A_191, %dma_wait3A_280] : memref<1x128xi32, #tpu.memory_space<vmem>> -> memref<1x128xi32, #tpu.memory_space<vmem>>
          %dma_wait3A_282 = tpu.memref_squeeze %dma_wait3A_281 : memref<1x128xi32, #tpu.memory_space<vmem>> -> memref<128xi32, #tpu.memory_space<vmem>>
          %dma_wait3A_283 = arith.constant 0 : i32
          %dma_wait3A_284 = arith.constant 0 : i32
          %dma_wait3A_285 = tpu.memref_slice %arg2[%dma_wait3A_283, %dma_wait3A_284] : memref<32768x128xf32, #tpu.memory_space<hbm>> -> memref<32768x128xf32, #tpu.memory_space<hbm>>
          tpu.wait_indirect_dma semaphore(%run_scoped3A_257 : memref<!tpu.dma_semaphore, #tpu.memory_space<semaphore_mem>>) src(%dma_wait3A_285 : memref<32768x128xf32, #tpu.memory_space<hbm>>) dst(%dma_wait3A_275 : memref<128x128xf32, #tpu.memory_space<vmem>>)
          tpu.yield
        }) : () -> ()
        "tpu.trace_stop"() : () -> ()
        %ne3A_192 = arith.cmpi ne, %add3A_124, %add3A_142 : i32
        %or3A_193 = arith.constant false
        %or3A_194 = arith.ori %or3A_193, %ne3A_192 : i1
        %or3A_195 = arith.ori %or3A_194, %eq3A_123 : i1
        %convert_element_type3A_196 = arith.extui %or3A_195 : i1 to i32
        %cond3A_197 = arith.constant 0 : i32
        %cond3A_198 = arith.cmpi ne, %convert_element_type3A_196, %cond3A_197 : i32
        scf.if %cond3A_198 {
        } else {
        }
        %and3A_199 = arith.constant false
        %and3A_200 = arith.andi %or3A_195, %and3A_199 : i1
        %ne3A_201 = arith.cmpi ne, %add3A_124, %add3A_142 : i32
        %or3A_202 = arith.constant false
        %or3A_203 = arith.ori %or3A_202, %ne3A_201 : i1
        %or3A_204 = arith.constant false
        %or3A_205 = arith.ori %or3A_203, %or3A_204 : i1
        %or3A_206 = arith.ori %or3A_205, %eq3A_123 : i1
        %convert_element_type3A_207 = arith.extui %or3A_206 : i1 to i32
        %cond3A_208 = arith.constant 0 : i32
        %cond3A_209 = arith.cmpi ne, %convert_element_type3A_207, %cond3A_208 : i32
        scf.if %cond3A_209 {
          "tpu.trace_start"() <{level = 10 : i32, message = "ep_copy_out"}> : () -> ()
          %rem3A_257 = arith.constant 2 : i32
          %rem3A_258 = arith.remui %scan3A_117, %rem3A_257 : i32
          %mul3A_259 = arith.constant 128 : i32
          %mul3A_260 = arith.muli %mul3A_259, %add3A_124 : i32
          %dma_start3A_261 = arith.constant 0 : i32
          %dma_start3A_262 = arith.constant 0 : i32
          %dma_start3A_263 = tpu.memref_slice %run_scoped3A_2[%rem3A_258, %dma_start3A_261, %dma_start3A_262] : memref<2x128x128xf32, #tpu.memory_space<vmem>> -> memref<1x128x128xf32, #tpu.memory_space<vmem>>
          %dma_start3A_264 = tpu.memref_squeeze %dma_start3A_263 : memref<1x128x128xf32, #tpu.memory_space<vmem>> -> memref<128x128xf32, #tpu.memory_space<vmem>>
          %dma_start3A_265 = arith.constant 0 : i32
          %dma_start3A_266 = tpu.memref_slice %arg4[%mul3A_260, %dma_start3A_265] : memref<4096x128xf32, #tpu.memory_space<hbm>> -> memref<128x128xf32, #tpu.memory_space<hbm>>
          %dma_start3A_267 = tpu.memref_slice %run_scoped3A_3[%rem3A_258] : memref<2x!tpu.dma_semaphore, #tpu.memory_space<semaphore_mem>> -> memref<1x!tpu.dma_semaphore, #tpu.memory_space<semaphore_mem>>
          %dma_start3A_268 = tpu.memref_squeeze %dma_start3A_267 : memref<1x!tpu.dma_semaphore, #tpu.memory_space<semaphore_mem>> -> memref<!tpu.dma_semaphore, #tpu.memory_space<semaphore_mem>>
          %dma_start3A_269 = arith.constant 0 : i32
          %dma_start3A_270 = tpu.memref_slice %arg4[%mul3A_260, %dma_start3A_269] : memref<4096x128xf32, #tpu.memory_space<hbm>> -> memref<128x128xf32, #tpu.memory_space<hbm>>
          %dma_start3A_271 = arith.constant 0 : i32
          %dma_start3A_272 = arith.constant 0 : i32
          %dma_start3A_273 = tpu.memref_slice %run_scoped3A_2[%rem3A_258, %dma_start3A_271, %dma_start3A_272] : memref<2x128x128xf32, #tpu.memory_space<vmem>> -> memref<1x128x128xf32, #tpu.memory_space<vmem>>
          %dma_start3A_274 = tpu.memref_squeeze %dma_start3A_273 : memref<1x128x128xf32, #tpu.memory_space<vmem>> -> memref<128x128xf32, #tpu.memory_space<vmem>>
          tpu.enqueue_dma source(%dma_start3A_274 : memref<128x128xf32, #tpu.memory_space<vmem>>) target(%dma_start3A_270 : memref<128x128xf32, #tpu.memory_space<hbm>>) target_semaphore(%dma_start3A_268 : memref<!tpu.dma_semaphore, #tpu.memory_space<semaphore_mem>>)
          "tpu.trace_stop"() : () -> ()
        } else {
        }
        %and3A_210 = arith.constant true
        %and3A_211 = arith.andi %or3A_206, %and3A_210 : i1
        %add3A_212 = arith.constant 1 : i32
        %add3A_213 = arith.addi %scan3A_117, %add3A_212 : i32
        %select_n3A_214 = arith.select %and3A_211, %add3A_213, %scan3A_117 : i32
        %ne3A_215 = arith.cmpi ne, %add3A_124, %add3A_133 : i32
        %or3A_216 = arith.constant false
        %or3A_217 = arith.ori %or3A_216, %ne3A_215 : i1
        %not3A_218 = arith.constant true
        %not3A_219 = arith.xori %eq3A_121, %not3A_218 : i1
        %and3A_220 = arith.andi %or3A_217, %not3A_219 : i1
        %convert_element_type3A_221 = arith.extui %and3A_220 : i1 to i32
        %cond3A_222 = arith.constant 0 : i32
        %cond3A_223 = arith.cmpi ne, %convert_element_type3A_221, %cond3A_222 : i32
        scf.if %cond3A_223 {
        } else {
        }
        %and3A_224 = arith.constant false
        %and3A_225 = arith.andi %and3A_220, %and3A_224 : i1
        %ne3A_226 = arith.cmpi ne, %add3A_124, %add3A_133 : i32
        %or3A_227 = arith.constant false
        %or3A_228 = arith.ori %or3A_227, %ne3A_226 : i1
        %or3A_229 = arith.constant false
        %or3A_230 = arith.ori %or3A_228, %or3A_229 : i1
        %not3A_231 = arith.constant true
        %not3A_232 = arith.xori %eq3A_121, %not3A_231 : i1
        %and3A_233 = arith.andi %or3A_230, %not3A_232 : i1
        %convert_element_type3A_234 = arith.extui %and3A_233 : i1 to i32
        %cond3A_235 = arith.constant 0 : i32
        %cond3A_236 = arith.cmpi ne, %convert_element_type3A_234, %cond3A_235 : i32
        scf.if %cond3A_236 {
          "tpu.trace_start"() <{level = 10 : i32, message = "ep_wait_out"}> : () -> ()
          %rem3A_257 = arith.constant 2 : i32
          %rem3A_258 = arith.remui %scan3A_118, %rem3A_257 : i32
          %mul3A_259 = arith.constant 128 : i32
          %mul3A_260 = arith.muli %mul3A_259, %add3A_133 : i32
          %dma_wait3A_261 = arith.constant 0 : i32
          %dma_wait3A_262 = arith.constant 0 : i32
          %dma_wait3A_263 = tpu.memref_slice %run_scoped3A_2[%rem3A_258, %dma_wait3A_261, %dma_wait3A_262] : memref<2x128x128xf32, #tpu.memory_space<vmem>> -> memref<1x128x128xf32, #tpu.memory_space<vmem>>
          %dma_wait3A_264 = tpu.memref_squeeze %dma_wait3A_263 : memref<1x128x128xf32, #tpu.memory_space<vmem>> -> memref<128x128xf32, #tpu.memory_space<vmem>>
          %dma_wait3A_265 = arith.constant 0 : i32
          %dma_wait3A_266 = tpu.memref_slice %arg4[%mul3A_260, %dma_wait3A_265] : memref<4096x128xf32, #tpu.memory_space<hbm>> -> memref<128x128xf32, #tpu.memory_space<hbm>>
          %dma_wait3A_267 = tpu.memref_slice %run_scoped3A_3[%rem3A_258] : memref<2x!tpu.dma_semaphore, #tpu.memory_space<semaphore_mem>> -> memref<1x!tpu.dma_semaphore, #tpu.memory_space<semaphore_mem>>
          %dma_wait3A_268 = tpu.memref_squeeze %dma_wait3A_267 : memref<1x!tpu.dma_semaphore, #tpu.memory_space<semaphore_mem>> -> memref<!tpu.dma_semaphore, #tpu.memory_space<semaphore_mem>>
          %dma_wait3A_269 = arith.constant 0 : i32
          %dma_wait3A_270 = tpu.memref_slice %arg4[%mul3A_260, %dma_wait3A_269] : memref<4096x128xf32, #tpu.memory_space<hbm>> -> memref<128x128xf32, #tpu.memory_space<hbm>>
          %dma_wait3A_271 = arith.constant 0 : i32
          %dma_wait3A_272 = arith.constant 0 : i32
          %dma_wait3A_273 = tpu.memref_slice %run_scoped3A_2[%rem3A_258, %dma_wait3A_271, %dma_wait3A_272] : memref<2x128x128xf32, #tpu.memory_space<vmem>> -> memref<1x128x128xf32, #tpu.memory_space<vmem>>
          %dma_wait3A_274 = tpu.memref_squeeze %dma_wait3A_273 : memref<1x128x128xf32, #tpu.memory_space<vmem>> -> memref<128x128xf32, #tpu.memory_space<vmem>>
          tpu.wait_dma2 semaphore(%dma_wait3A_268 : memref<!tpu.dma_semaphore, #tpu.memory_space<semaphore_mem>>) src(%dma_wait3A_274 : memref<128x128xf32, #tpu.memory_space<vmem>>) dst(%dma_wait3A_270 : memref<128x128xf32, #tpu.memory_space<hbm>>)
          "tpu.trace_stop"() : () -> ()
        } else {
        }
        %and3A_237 = arith.constant true
        %and3A_238 = arith.andi %and3A_233, %and3A_237 : i1
        %add3A_239 = arith.constant 1 : i32
        %add3A_240 = arith.addi %scan3A_118, %add3A_239 : i32
        %select_n3A_241 = arith.select %and3A_238, %add3A_240, %scan3A_118 : i32
        %ne3A_242 = arith.cmpi ne, %add3A_124, %add3A_142 : i32
        %or3A_243 = arith.constant false
        %or3A_244 = arith.ori %or3A_243, %ne3A_242 : i1
        %or3A_245 = arith.ori %or3A_244, %eq3A_123 : i1
        %add3A_246 = arith.constant 1 : i32
        %add3A_247 = arith.addi %scan3A_116, %add3A_246 : i32
        %select_n3A_248 = arith.select %or3A_245, %add3A_247, %scan3A_116 : i32
        %add3A_249 = arith.constant 1 : i32
        %add3A_250 = arith.addi %scan3A_119, %add3A_249 : i32
        %select_n3A_251 = arith.constant true
        %select_n3A_252 = arith.select %select_n3A_251, %add3A_250, %scan3A_119 : i32
        %eq3A_253 = arith.constant 2 : i32
        %eq3A_254 = arith.cmpi eq, %select_n3A_252, %eq3A_253 : i32
        %select_n3A_255 = arith.constant 0 : i32
        %select_n3A_256 = arith.select %eq3A_254, %select_n3A_255, %select_n3A_252 : i32
        scf.yield %select_n3A_160, %select_n3A_248, %select_n3A_214, %select_n3A_241, %select_n3A_256 : i32, i32, i32, i32, i32
      }
      %scan3A_61 = arith.constant 2 : i32
      %sub3A = arith.constant 1 : i32
      %sub3A_62 = arith.subi %scan3A_60#4, %sub3A : i32
      %select_n3A_63 = arith.constant true
      %select_n3A_64 = arith.select %select_n3A_63, %sub3A_62, %scan3A_60#4 : i32
      %eq3A_65 = arith.constant -1 : i32
      %eq3A_66 = arith.cmpi eq, %select_n3A_64, %eq3A_65 : i32
      %select_n3A_67 = arith.constant 1 : i32
      %select_n3A_68 = arith.select %eq3A_66, %select_n3A_67, %select_n3A_64 : i32
      %add3A_69 = arith.addi %select_n3A_68, %mul3A_0 : i32
      %sub3A_70 = arith.constant 1 : i32
      %sub3A_71 = arith.subi %select_n3A_68, %sub3A_70 : i32
      %select_n3A_72 = arith.constant true
      %select_n3A_73 = arith.select %select_n3A_72, %sub3A_71, %select_n3A_68 : i32
      %eq3A_74 = arith.constant -1 : i32
      %eq3A_75 = arith.cmpi eq, %select_n3A_73, %eq3A_74 : i32
      %select_n3A_76 = arith.constant 1 : i32
      %select_n3A_77 = arith.select %eq3A_75, %select_n3A_76, %select_n3A_73 : i32
      %add3A_78 = arith.addi %select_n3A_77, %mul3A_0 : i32
      %add3A_79 = arith.constant 1 : i32
      %add3A_80 = arith.addi %select_n3A_68, %add3A_79 : i32
      %select_n3A_81 = arith.constant true
      %select_n3A_82 = arith.select %select_n3A_81, %add3A_80, %select_n3A_68 : i32
      %eq3A_83 = arith.constant 2 : i32
      %eq3A_84 = arith.cmpi eq, %select_n3A_82, %eq3A_83 : i32
      %select_n3A_85 = arith.constant 0 : i32
      %select_n3A_86 = arith.select %eq3A_84, %select_n3A_85, %select_n3A_82 : i32
      %add3A_87 = arith.addi %select_n3A_86, %mul3A_0 : i32
      %add3A_88 = arith.constant 1 : i32
      %add3A_89 = arith.addi %select_n3A_86, %add3A_88 : i32
      %select_n3A_90 = arith.constant true
      %select_n3A_91 = arith.select %select_n3A_90, %add3A_89, %select_n3A_86 : i32
      %eq3A_92 = arith.constant 2 : i32
      %eq3A_93 = arith.cmpi eq, %select_n3A_91, %eq3A_92 : i32
      %select_n3A_94 = arith.constant 0 : i32
      %select_n3A_95 = arith.select %eq3A_93, %select_n3A_94, %select_n3A_91 : i32
      %add3A_96 = arith.addi %select_n3A_95, %mul3A_0 : i32
      "tpu.trace_start"() <{level = 10 : i32, message = "ep_finalize"}> : () -> ()
      %rem3A_97 = arith.constant 2 : i32
      %rem3A_98 = arith.remui %scan3A_60#3, %rem3A_97 : i32
      %mul3A_99 = arith.constant 128 : i32
      %mul3A_100 = arith.muli %mul3A_99, %add3A_69 : i32
      %dma_wait3A = arith.constant 0 : i32
      %dma_wait3A_101 = arith.constant 0 : i32
      %dma_wait3A_102 = tpu.memref_slice %run_scoped3A_2[%rem3A_98, %dma_wait3A, %dma_wait3A_101] : memref<2x128x128xf32, #tpu.memory_space<vmem>> -> memref<1x128x128xf32, #tpu.memory_space<vmem>>
      %dma_wait3A_103 = tpu.memref_squeeze %dma_wait3A_102 : memref<1x128x128xf32, #tpu.memory_space<vmem>> -> memref<128x128xf32, #tpu.memory_space<vmem>>
      %dma_wait3A_104 = arith.constant 0 : i32
      %dma_wait3A_105 = tpu.memref_slice %arg4[%mul3A_100, %dma_wait3A_104] : memref<4096x128xf32, #tpu.memory_space<hbm>> -> memref<128x128xf32, #tpu.memory_space<hbm>>
      %dma_wait3A_106 = tpu.memref_slice %run_scoped3A_3[%rem3A_98] : memref<2x!tpu.dma_semaphore, #tpu.memory_space<semaphore_mem>> -> memref<1x!tpu.dma_semaphore, #tpu.memory_space<semaphore_mem>>
      %dma_wait3A_107 = tpu.memref_squeeze %dma_wait3A_106 : memref<1x!tpu.dma_semaphore, #tpu.memory_space<semaphore_mem>> -> memref<!tpu.dma_semaphore, #tpu.memory_space<semaphore_mem>>
      %dma_wait3A_108 = arith.constant 0 : i32
      %dma_wait3A_109 = tpu.memref_slice %arg4[%mul3A_100, %dma_wait3A_108] : memref<4096x128xf32, #tpu.memory_space<hbm>> -> memref<128x128xf32, #tpu.memory_space<hbm>>
      %dma_wait3A_110 = arith.constant 0 : i32
      %dma_wait3A_111 = arith.constant 0 : i32
      %dma_wait3A_112 = tpu.memref_slice %run_scoped3A_2[%rem3A_98, %dma_wait3A_110, %dma_wait3A_111] : memref<2x128x128xf32, #tpu.memory_space<vmem>> -> memref<1x128x128xf32, #tpu.memory_space<vmem>>
      %dma_wait3A_113 = tpu.memref_squeeze %dma_wait3A_112 : memref<1x128x128xf32, #tpu.memory_space<vmem>> -> memref<128x128xf32, #tpu.memory_space<vmem>>
      tpu.wait_dma2 semaphore(%dma_wait3A_107 : memref<!tpu.dma_semaphore, #tpu.memory_space<semaphore_mem>>) src(%dma_wait3A_113 : memref<128x128xf32, #tpu.memory_space<vmem>>) dst(%dma_wait3A_109 : memref<128x128xf32, #tpu.memory_space<hbm>>)
      "tpu.trace_stop"() : () -> ()
      tpu.yield
    }) : () -> ()
    return
  }
}

module attributes {stable_mosaic.version = 14 : i64} {
  func.func @_knn_conv_kernel(%arg0: i32, %arg1: i32, %arg2: memref<1x64x2048xf32, #tpu.memory_space<vmem>>, %arg3: memref<1x64x512xf32, #tpu.memory_space<vmem>>, %arg4: memref<1x512x128xf32, #tpu.memory_space<vmem>>, %arg5: memref<512x1xf32, #tpu.memory_space<vmem>>, %arg6: memref<8x64x64xf32, #tpu.memory_space<vmem>>, %arg7: memref<64x1xf32, #tpu.memory_space<vmem>>, %arg8: memref<1x64x2048xf32, #tpu.memory_space<vmem>>, %arg9: memref<7x128x512xbf16, #tpu.memory_space<vmem>>, %arg10: memref<64x512xbf16, #tpu.memory_space<vmem>>) attributes {dimension_semantics = [#tpu.dimension_semantics<parallel>, #tpu.dimension_semantics<arbitrary>], iteration_bounds = array<i64: 8, 4>, scalar_prefetch = 0 : i64, scratch_operands = 2 : i64, tpu.core_type = #tpu.core_type<tc>, window_params = [{transform_indices = @transform_0, window_bounds = array<i64: 1, 64, 2048>}, {transform_indices = @transform_1, window_bounds = array<i64: 1, 64, 512>}, {transform_indices = @transform_2, window_bounds = array<i64: 1, 512, 128>}, {pipeline_mode = #tpu.pipeline_mode<synchronous>, transform_indices = @transform_3, window_bounds = array<i64: 512, 1>}, {pipeline_mode = #tpu.pipeline_mode<synchronous>, transform_indices = @transform_4, window_bounds = array<i64: 8, 64, 64>}, {pipeline_mode = #tpu.pipeline_mode<synchronous>, transform_indices = @transform_5, window_bounds = array<i64: 64, 1>}, {transform_indices = @transform_6, window_bounds = array<i64: 1, 64, 2048>}]} {
    %eq3A = arith.constant 0 : i32
    %eq3A_0 = arith.cmpi eq, %arg1, %eq3A : i32
    %convert_element_type3A = arith.extui %eq3A_0 : i1 to i32
    %cond3A = arith.constant 0 : i32
    %cond3A_1 = arith.cmpi ne, %convert_element_type3A, %cond3A : i32
    scf.if %cond3A_1 {
      %get3A_236 = arith.constant 0 : index
      %get3A_237 = arith.constant 0 : index
      %get3A_238 = arith.constant 0 : index
      %get3A_239 = vector.load %arg3[%get3A_236, %get3A_237, %get3A_238] : memref<1x64x512xf32, #tpu.memory_space<vmem>>, vector<1x64x512xf32>
      %get3A_240 = vector.shape_cast %get3A_239 : vector<1x64x512xf32> to vector<64x512xf32>
      %mul3A_241 = arith.mulf %get3A_240, %get3A_240 : vector<64x512xf32>
      %reduce_sum3A_242 = arith.constant dense<0.000000e+00> : vector<512xf32>
      %reduce_sum3A_243 = vector.multi_reduction <add>, %mul3A_241, %reduce_sum3A_242 [0] : vector<64x512xf32> to vector<512xf32>
      %broadcast_in_dim3A_244 = vector.shape_cast %reduce_sum3A_243 : vector<512xf32> to vector<1x512xf32>
      %sqrt3A_245 = math.sqrt %broadcast_in_dim3A_244 : vector<1x512xf32>
      %jit3A_246 = arith.constant 9.99999996E-13 : f32
      %max3A_247 = vector.broadcast %jit3A_246 : f32 to vector<1x512xf32>
      %max3A_248 = arith.maximumf %max3A_247, %sqrt3A_245 : vector<1x512xf32>
      %div3A_249 = vector.broadcast %max3A_248 : vector<1x512xf32> to vector<64x512xf32>
      %div3A_250 = arith.divf %get3A_240, %div3A_249 : vector<64x512xf32>
      %convert_element_type3A_251 = arith.truncf %div3A_250 : vector<64x512xf32> to vector<64x512xbf16>
      %swap3A_252 = arith.constant 0 : index
      %swap3A_253 = arith.constant 0 : index
      %swap3A_254 = vector.load %arg10[%swap3A_252, %swap3A_253] : memref<64x512xbf16, #tpu.memory_space<vmem>>, vector<64x512xbf16>
      tpu.vector_store %arg10[%swap3A_252, %swap3A_253], %convert_element_type3A_251 {strides = array<i32>} : memref<64x512xbf16, #tpu.memory_space<vmem>>, vector<64x512xbf16>,
      %get3A_255 = arith.constant 0 : index
      %get3A_256 = arith.constant 0 : index
      %get3A_257 = arith.constant 0 : index
      %get3A_258 = vector.load %arg4[%get3A_255, %get3A_256, %get3A_257] : memref<1x512x128xf32, #tpu.memory_space<vmem>>, vector<1x512x128xf32>
      %get3A_259 = vector.shape_cast %get3A_258 : vector<1x512x128xf32> to vector<512x128xf32>
      %get3A_260 = arith.constant 0 : index
      %get3A_261 = arith.constant 0 : index
      %get3A_262 = vector.load %arg5[%get3A_260, %get3A_261] : memref<512x1xf32, #tpu.memory_space<vmem>>, vector<512x1xf32>
      %gt3A = arith.constant 0.000000e+00 : f32
      %gt3A_263 = vector.broadcast %gt3A : f32 to vector<512x1xf32>
      %gt3A_264 = arith.cmpf ogt, %get3A_262, %gt3A_263 : vector<512x1xf32>
      %slice3A_265 = vector.extract_strided_slice %get3A_259 {offsets = [0, 64], sizes = [512, 64], strides = [1, 1]} : vector<512x128xf32> to vector<512x64xf32>
      %slice3A_266 = vector.extract_strided_slice %get3A_259 {offsets = [0, 0], sizes = [512, 64], strides = [1, 1]} : vector<512x128xf32> to vector<512x64xf32>
      %broadcast_in_dim3A_267 = vector.shape_cast %gt3A_264 : vector<512x1xi1> to vector<512x1xi1>
      %broadcast_in_dim3A_268 = vector.broadcast %broadcast_in_dim3A_267 : vector<512x1xi1> to vector<512x64xi1>
      %select_n3A_269 = arith.select %broadcast_in_dim3A_268, %slice3A_265, %slice3A_266 : vector<512x64xi1>, vector<512x64xf32>
      %convert_element_type3A_270 = arith.truncf %select_n3A_269 : vector<512x64xf32> to vector<512x64xbf16>
      %get3A_271 = arith.constant 1 : index
      %get3A_272 = arith.constant 0 : index
      %get3A_273 = arith.constant 0 : index
      %get3A_274 = vector.load %arg6[%get3A_271, %get3A_272, %get3A_273] : memref<8x64x64xf32, #tpu.memory_space<vmem>>, vector<1x64x64xf32>
      %get3A_275 = vector.shape_cast %get3A_274 : vector<1x64x64xf32> to vector<64x64xf32>
      %convert_element_type3A_276 = arith.truncf %get3A_275 : vector<64x64xf32> to vector<64x64xbf16>
      %dot_general3A_277 = arith.constant dense<0.000000e+00> : vector<64x512xf32>
      %dot_general3A_278 = tpu.matmul %convert_element_type3A_276, %convert_element_type3A_270, %dot_general3A_277 {dimension_numbers = #tpu.dot_dimension_numbers<[1], [1], [0], [0], [0, 0, 1, 0], [], []>, transpose_lhs_hint = false} : vector<64x64xbf16>, vector<512x64xbf16>, vector<64x512xf32> -> vector<64x512xf32>
      %convert_element_type3A_279 = arith.truncf %dot_general3A_278 : vector<64x512xf32> to vector<64x512xbf16>
      %swap3A_280 = arith.constant 0 : index
      %swap3A_281 = arith.constant 0 : index
      %swap3A_282 = arith.constant 0 : index
      %swap3A_283 = vector.load %arg9[%swap3A_280, %swap3A_281, %swap3A_282] : memref<7x128x512xbf16, #tpu.memory_space<vmem>>, vector<1x64x512xbf16>
      %swap3A_284 = vector.shape_cast %swap3A_283 : vector<1x64x512xbf16> to vector<64x512xbf16>
      %swap3A_285 = vector.shape_cast %convert_element_type3A_279 : vector<64x512xbf16> to vector<1x64x512xbf16>
      tpu.vector_store %arg9[%swap3A_280, %swap3A_281, %swap3A_282], %swap3A_285 {strides = array<i32>} : memref<7x128x512xbf16, #tpu.memory_space<vmem>>, vector<1x64x512xbf16>,
      %convert_element_type3A_286 = arith.extf %convert_element_type3A_279 : vector<64x512xbf16> to vector<64x512xf32>
      %sub3A = arith.subf %dot_general3A_278, %convert_element_type3A_286 : vector<64x512xf32>
      %convert_element_type3A_287 = arith.truncf %sub3A : vector<64x512xf32> to vector<64x512xbf16>
      %swap3A_288 = arith.constant 0 : index
      %swap3A_289 = arith.constant 64 : index
      %swap3A_290 = arith.constant 0 : index
      %swap3A_291 = vector.load %arg9[%swap3A_288, %swap3A_289, %swap3A_290] : memref<7x128x512xbf16, #tpu.memory_space<vmem>>, vector<1x64x512xbf16>
      %swap3A_292 = vector.shape_cast %swap3A_291 : vector<1x64x512xbf16> to vector<64x512xbf16>
      %swap3A_293 = vector.shape_cast %convert_element_type3A_287 : vector<64x512xbf16> to vector<1x64x512xbf16>
      tpu.vector_store %arg9[%swap3A_288, %swap3A_289, %swap3A_290], %swap3A_293 {strides = array<i32>} : memref<7x128x512xbf16, #tpu.memory_space<vmem>>, vector<1x64x512xbf16>,
      %get3A_294 = arith.constant 2 : index
      %get3A_295 = arith.constant 0 : index
      %get3A_296 = arith.constant 0 : index
      %get3A_297 = vector.load %arg6[%get3A_294, %get3A_295, %get3A_296] : memref<8x64x64xf32, #tpu.memory_space<vmem>>, vector<1x64x64xf32>
      %get3A_298 = vector.shape_cast %get3A_297 : vector<1x64x64xf32> to vector<64x64xf32>
      %convert_element_type3A_299 = arith.truncf %get3A_298 : vector<64x64xf32> to vector<64x64xbf16>
      %dot_general3A_300 = arith.constant dense<0.000000e+00> : vector<64x512xf32>
      %dot_general3A_301 = tpu.matmul %convert_element_type3A_299, %convert_element_type3A_270, %dot_general3A_300 {dimension_numbers = #tpu.dot_dimension_numbers<[1], [1], [0], [0], [0, 0, 1, 0], [], []>, transpose_lhs_hint = false} : vector<64x64xbf16>, vector<512x64xbf16>, vector<64x512xf32> -> vector<64x512xf32>
      %convert_element_type3A_302 = arith.truncf %dot_general3A_301 : vector<64x512xf32> to vector<64x512xbf16>
      %swap3A_303 = arith.constant 1 : index
      %swap3A_304 = arith.constant 0 : index
      %swap3A_305 = arith.constant 0 : index
      %swap3A_306 = vector.load %arg9[%swap3A_303, %swap3A_304, %swap3A_305] : memref<7x128x512xbf16, #tpu.memory_space<vmem>>, vector<1x64x512xbf16>
      %swap3A_307 = vector.shape_cast %swap3A_306 : vector<1x64x512xbf16> to vector<64x512xbf16>
      %swap3A_308 = vector.shape_cast %convert_element_type3A_302 : vector<64x512xbf16> to vector<1x64x512xbf16>
      tpu.vector_store %arg9[%swap3A_303, %swap3A_304, %swap3A_305], %swap3A_308 {strides = array<i32>} : memref<7x128x512xbf16, #tpu.memory_space<vmem>>, vector<1x64x512xbf16>,
      %convert_element_type3A_309 = arith.extf %convert_element_type3A_302 : vector<64x512xbf16> to vector<64x512xf32>
      %sub3A_310 = arith.subf %dot_general3A_301, %convert_element_type3A_309 : vector<64x512xf32>
      %convert_element_type3A_311 = arith.truncf %sub3A_310 : vector<64x512xf32> to vector<64x512xbf16>
      %swap3A_312 = arith.constant 1 : index
      %swap3A_313 = arith.constant 64 : index
      %swap3A_314 = arith.constant 0 : index
      %swap3A_315 = vector.load %arg9[%swap3A_312, %swap3A_313, %swap3A_314] : memref<7x128x512xbf16, #tpu.memory_space<vmem>>, vector<1x64x512xbf16>
      %swap3A_316 = vector.shape_cast %swap3A_315 : vector<1x64x512xbf16> to vector<64x512xbf16>
      %swap3A_317 = vector.shape_cast %convert_element_type3A_311 : vector<64x512xbf16> to vector<1x64x512xbf16>
      tpu.vector_store %arg9[%swap3A_312, %swap3A_313, %swap3A_314], %swap3A_317 {strides = array<i32>} : memref<7x128x512xbf16, #tpu.memory_space<vmem>>, vector<1x64x512xbf16>,
      %get3A_318 = arith.constant 3 : index
      %get3A_319 = arith.constant 0 : index
      %get3A_320 = arith.constant 0 : index
      %get3A_321 = vector.load %arg6[%get3A_318, %get3A_319, %get3A_320] : memref<8x64x64xf32, #tpu.memory_space<vmem>>, vector<1x64x64xf32>
      %get3A_322 = vector.shape_cast %get3A_321 : vector<1x64x64xf32> to vector<64x64xf32>
      %convert_element_type3A_323 = arith.truncf %get3A_322 : vector<64x64xf32> to vector<64x64xbf16>
      %dot_general3A_324 = arith.constant dense<0.000000e+00> : vector<64x512xf32>
      %dot_general3A_325 = tpu.matmul %convert_element_type3A_323, %convert_element_type3A_270, %dot_general3A_324 {dimension_numbers = #tpu.dot_dimension_numbers<[1], [1], [0], [0], [0, 0, 1, 0], [], []>, transpose_lhs_hint = false} : vector<64x64xbf16>, vector<512x64xbf16>, vector<64x512xf32> -> vector<64x512xf32>
      %convert_element_type3A_326 = arith.truncf %dot_general3A_325 : vector<64x512xf32> to vector<64x512xbf16>
      %swap3A_327 = arith.constant 2 : index
      %swap3A_328 = arith.constant 0 : index
      %swap3A_329 = arith.constant 0 : index
      %swap3A_330 = vector.load %arg9[%swap3A_327, %swap3A_328, %swap3A_329] : memref<7x128x512xbf16, #tpu.memory_space<vmem>>, vector<1x64x512xbf16>
      %swap3A_331 = vector.shape_cast %swap3A_330 : vector<1x64x512xbf16> to vector<64x512xbf16>
      %swap3A_332 = vector.shape_cast %convert_element_type3A_326 : vector<64x512xbf16> to vector<1x64x512xbf16>
      tpu.vector_store %arg9[%swap3A_327, %swap3A_328, %swap3A_329], %swap3A_332 {strides = array<i32>} : memref<7x128x512xbf16, #tpu.memory_space<vmem>>, vector<1x64x512xbf16>,
      %convert_element_type3A_333 = arith.extf %convert_element_type3A_326 : vector<64x512xbf16> to vector<64x512xf32>
      %sub3A_334 = arith.subf %dot_general3A_325, %convert_element_type3A_333 : vector<64x512xf32>
      %convert_element_type3A_335 = arith.truncf %sub3A_334 : vector<64x512xf32> to vector<64x512xbf16>
      %swap3A_336 = arith.constant 2 : index
      %swap3A_337 = arith.constant 64 : index
      %swap3A_338 = arith.constant 0 : index
      %swap3A_339 = vector.load %arg9[%swap3A_336, %swap3A_337, %swap3A_338] : memref<7x128x512xbf16, #tpu.memory_space<vmem>>, vector<1x64x512xbf16>
      %swap3A_340 = vector.shape_cast %swap3A_339 : vector<1x64x512xbf16> to vector<64x512xbf16>
      %swap3A_341 = vector.shape_cast %convert_element_type3A_335 : vector<64x512xbf16> to vector<1x64x512xbf16>
      tpu.vector_store %arg9[%swap3A_336, %swap3A_337, %swap3A_338], %swap3A_341 {strides = array<i32>} : memref<7x128x512xbf16, #tpu.memory_space<vmem>>, vector<1x64x512xbf16>,
      %get3A_342 = arith.constant 4 : index
      %get3A_343 = arith.constant 0 : index
      %get3A_344 = arith.constant 0 : index
      %get3A_345 = vector.load %arg6[%get3A_342, %get3A_343, %get3A_344] : memref<8x64x64xf32, #tpu.memory_space<vmem>>, vector<1x64x64xf32>
      %get3A_346 = vector.shape_cast %get3A_345 : vector<1x64x64xf32> to vector<64x64xf32>
      %convert_element_type3A_347 = arith.truncf %get3A_346 : vector<64x64xf32> to vector<64x64xbf16>
      %dot_general3A_348 = arith.constant dense<0.000000e+00> : vector<64x512xf32>
      %dot_general3A_349 = tpu.matmul %convert_element_type3A_347, %convert_element_type3A_270, %dot_general3A_348 {dimension_numbers = #tpu.dot_dimension_numbers<[1], [1], [0], [0], [0, 0, 1, 0], [], []>, transpose_lhs_hint = false} : vector<64x64xbf16>, vector<512x64xbf16>, vector<64x512xf32> -> vector<64x512xf32>
      %convert_element_type3A_350 = arith.truncf %dot_general3A_349 : vector<64x512xf32> to vector<64x512xbf16>
      %swap3A_351 = arith.constant 3 : index
      %swap3A_352 = arith.constant 0 : index
      %swap3A_353 = arith.constant 0 : index
      %swap3A_354 = vector.load %arg9[%swap3A_351, %swap3A_352, %swap3A_353] : memref<7x128x512xbf16, #tpu.memory_space<vmem>>, vector<1x64x512xbf16>
      %swap3A_355 = vector.shape_cast %swap3A_354 : vector<1x64x512xbf16> to vector<64x512xbf16>
      %swap3A_356 = vector.shape_cast %convert_element_type3A_350 : vector<64x512xbf16> to vector<1x64x512xbf16>
      tpu.vector_store %arg9[%swap3A_351, %swap3A_352, %swap3A_353], %swap3A_356 {strides = array<i32>} : memref<7x128x512xbf16, #tpu.memory_space<vmem>>, vector<1x64x512xbf16>,
      %convert_element_type3A_357 = arith.extf %convert_element_type3A_350 : vector<64x512xbf16> to vector<64x512xf32>
      %sub3A_358 = arith.subf %dot_general3A_349, %convert_element_type3A_357 : vector<64x512xf32>
      %convert_element_type3A_359 = arith.truncf %sub3A_358 : vector<64x512xf32> to vector<64x512xbf16>
      %swap3A_360 = arith.constant 3 : index
      %swap3A_361 = arith.constant 64 : index
      %swap3A_362 = arith.constant 0 : index
      %swap3A_363 = vector.load %arg9[%swap3A_360, %swap3A_361, %swap3A_362] : memref<7x128x512xbf16, #tpu.memory_space<vmem>>, vector<1x64x512xbf16>
      %swap3A_364 = vector.shape_cast %swap3A_363 : vector<1x64x512xbf16> to vector<64x512xbf16>
      %swap3A_365 = vector.shape_cast %convert_element_type3A_359 : vector<64x512xbf16> to vector<1x64x512xbf16>
      tpu.vector_store %arg9[%swap3A_360, %swap3A_361, %swap3A_362], %swap3A_365 {strides = array<i32>} : memref<7x128x512xbf16, #tpu.memory_space<vmem>>, vector<1x64x512xbf16>,
      %get3A_366 = arith.constant 5 : index
      %get3A_367 = arith.constant 0 : index
      %get3A_368 = arith.constant 0 : index
      %get3A_369 = vector.load %arg6[%get3A_366, %get3A_367, %get3A_368] : memref<8x64x64xf32, #tpu.memory_space<vmem>>, vector<1x64x64xf32>
      %get3A_370 = vector.shape_cast %get3A_369 : vector<1x64x64xf32> to vector<64x64xf32>
      %convert_element_type3A_371 = arith.truncf %get3A_370 : vector<64x64xf32> to vector<64x64xbf16>
      %dot_general3A_372 = arith.constant dense<0.000000e+00> : vector<64x512xf32>
      %dot_general3A_373 = tpu.matmul %convert_element_type3A_371, %convert_element_type3A_270, %dot_general3A_372 {dimension_numbers = #tpu.dot_dimension_numbers<[1], [1], [0], [0], [0, 0, 1, 0], [], []>, transpose_lhs_hint = false} : vector<64x64xbf16>, vector<512x64xbf16>, vector<64x512xf32> -> vector<64x512xf32>
      %convert_element_type3A_374 = arith.truncf %dot_general3A_373 : vector<64x512xf32> to vector<64x512xbf16>
      %swap3A_375 = arith.constant 4 : index
      %swap3A_376 = arith.constant 0 : index
      %swap3A_377 = arith.constant 0 : index
      %swap3A_378 = vector.load %arg9[%swap3A_375, %swap3A_376, %swap3A_377] : memref<7x128x512xbf16, #tpu.memory_space<vmem>>, vector<1x64x512xbf16>
      %swap3A_379 = vector.shape_cast %swap3A_378 : vector<1x64x512xbf16> to vector<64x512xbf16>
      %swap3A_380 = vector.shape_cast %convert_element_type3A_374 : vector<64x512xbf16> to vector<1x64x512xbf16>
      tpu.vector_store %arg9[%swap3A_375, %swap3A_376, %swap3A_377], %swap3A_380 {strides = array<i32>} : memref<7x128x512xbf16, #tpu.memory_space<vmem>>, vector<1x64x512xbf16>,
      %convert_element_type3A_381 = arith.extf %convert_element_type3A_374 : vector<64x512xbf16> to vector<64x512xf32>
      %sub3A_382 = arith.subf %dot_general3A_373, %convert_element_type3A_381 : vector<64x512xf32>
      %convert_element_type3A_383 = arith.truncf %sub3A_382 : vector<64x512xf32> to vector<64x512xbf16>
      %swap3A_384 = arith.constant 4 : index
      %swap3A_385 = arith.constant 64 : index
      %swap3A_386 = arith.constant 0 : index
      %swap3A_387 = vector.load %arg9[%swap3A_384, %swap3A_385, %swap3A_386] : memref<7x128x512xbf16, #tpu.memory_space<vmem>>, vector<1x64x512xbf16>
      %swap3A_388 = vector.shape_cast %swap3A_387 : vector<1x64x512xbf16> to vector<64x512xbf16>
      %swap3A_389 = vector.shape_cast %convert_element_type3A_383 : vector<64x512xbf16> to vector<1x64x512xbf16>
      tpu.vector_store %arg9[%swap3A_384, %swap3A_385, %swap3A_386], %swap3A_389 {strides = array<i32>} : memref<7x128x512xbf16, #tpu.memory_space<vmem>>, vector<1x64x512xbf16>,
      %get3A_390 = arith.constant 6 : index
      %get3A_391 = arith.constant 0 : index
      %get3A_392 = arith.constant 0 : index
      %get3A_393 = vector.load %arg6[%get3A_390, %get3A_391, %get3A_392] : memref<8x64x64xf32, #tpu.memory_space<vmem>>, vector<1x64x64xf32>
      %get3A_394 = vector.shape_cast %get3A_393 : vector<1x64x64xf32> to vector<64x64xf32>
      %convert_element_type3A_395 = arith.truncf %get3A_394 : vector<64x64xf32> to vector<64x64xbf16>
      %dot_general3A_396 = arith.constant dense<0.000000e+00> : vector<64x512xf32>
      %dot_general3A_397 = tpu.matmul %convert_element_type3A_395, %convert_element_type3A_270, %dot_general3A_396 {dimension_numbers = #tpu.dot_dimension_numbers<[1], [1], [0], [0], [0, 0, 1, 0], [], []>, transpose_lhs_hint = false} : vector<64x64xbf16>, vector<512x64xbf16>, vector<64x512xf32> -> vector<64x512xf32>
      %convert_element_type3A_398 = arith.truncf %dot_general3A_397 : vector<64x512xf32> to vector<64x512xbf16>
      %swap3A_399 = arith.constant 5 : index
      %swap3A_400 = arith.constant 0 : index
      %swap3A_401 = arith.constant 0 : index
      %swap3A_402 = vector.load %arg9[%swap3A_399, %swap3A_400, %swap3A_401] : memref<7x128x512xbf16, #tpu.memory_space<vmem>>, vector<1x64x512xbf16>
      %swap3A_403 = vector.shape_cast %swap3A_402 : vector<1x64x512xbf16> to vector<64x512xbf16>
      %swap3A_404 = vector.shape_cast %convert_element_type3A_398 : vector<64x512xbf16> to vector<1x64x512xbf16>
      tpu.vector_store %arg9[%swap3A_399, %swap3A_400, %swap3A_401], %swap3A_404 {strides = array<i32>} : memref<7x128x512xbf16, #tpu.memory_space<vmem>>, vector<1x64x512xbf16>,
      %convert_element_type3A_405 = arith.extf %convert_element_type3A_398 : vector<64x512xbf16> to vector<64x512xf32>
      %sub3A_406 = arith.subf %dot_general3A_397, %convert_element_type3A_405 : vector<64x512xf32>
      %convert_element_type3A_407 = arith.truncf %sub3A_406 : vector<64x512xf32> to vector<64x512xbf16>
      %swap3A_408 = arith.constant 5 : index
      %swap3A_409 = arith.constant 64 : index
      %swap3A_410 = arith.constant 0 : index
      %swap3A_411 = vector.load %arg9[%swap3A_408, %swap3A_409, %swap3A_410] : memref<7x128x512xbf16, #tpu.memory_space<vmem>>, vector<1x64x512xbf16>
      %swap3A_412 = vector.shape_cast %swap3A_411 : vector<1x64x512xbf16> to vector<64x512xbf16>
      %swap3A_413 = vector.shape_cast %convert_element_type3A_407 : vector<64x512xbf16> to vector<1x64x512xbf16>
      tpu.vector_store %arg9[%swap3A_408, %swap3A_409, %swap3A_410], %swap3A_413 {strides = array<i32>} : memref<7x128x512xbf16, #tpu.memory_space<vmem>>, vector<1x64x512xbf16>,
      %get3A_414 = arith.constant 7 : index
      %get3A_415 = arith.constant 0 : index
      %get3A_416 = arith.constant 0 : index
      %get3A_417 = vector.load %arg6[%get3A_414, %get3A_415, %get3A_416] : memref<8x64x64xf32, #tpu.memory_space<vmem>>, vector<1x64x64xf32>
      %get3A_418 = vector.shape_cast %get3A_417 : vector<1x64x64xf32> to vector<64x64xf32>
      %convert_element_type3A_419 = arith.truncf %get3A_418 : vector<64x64xf32> to vector<64x64xbf16>
      %dot_general3A_420 = arith.constant dense<0.000000e+00> : vector<64x512xf32>
      %dot_general3A_421 = tpu.matmul %convert_element_type3A_419, %convert_element_type3A_270, %dot_general3A_420 {dimension_numbers = #tpu.dot_dimension_numbers<[1], [1], [0], [0], [0, 0, 1, 0], [], []>, transpose_lhs_hint = false} : vector<64x64xbf16>, vector<512x64xbf16>, vector<64x512xf32> -> vector<64x512xf32>
      %convert_element_type3A_422 = arith.truncf %dot_general3A_421 : vector<64x512xf32> to vector<64x512xbf16>
      %swap3A_423 = arith.constant 6 : index
      %swap3A_424 = arith.constant 0 : index
      %swap3A_425 = arith.constant 0 : index
      %swap3A_426 = vector.load %arg9[%swap3A_423, %swap3A_424, %swap3A_425] : memref<7x128x512xbf16, #tpu.memory_space<vmem>>, vector<1x64x512xbf16>
      %swap3A_427 = vector.shape_cast %swap3A_426 : vector<1x64x512xbf16> to vector<64x512xbf16>
      %swap3A_428 = vector.shape_cast %convert_element_type3A_422 : vector<64x512xbf16> to vector<1x64x512xbf16>
      tpu.vector_store %arg9[%swap3A_423, %swap3A_424, %swap3A_425], %swap3A_428 {strides = array<i32>} : memref<7x128x512xbf16, #tpu.memory_space<vmem>>, vector<1x64x512xbf16>,
      %convert_element_type3A_429 = arith.extf %convert_element_type3A_422 : vector<64x512xbf16> to vector<64x512xf32>
      %sub3A_430 = arith.subf %dot_general3A_421, %convert_element_type3A_429 : vector<64x512xf32>
      %convert_element_type3A_431 = arith.truncf %sub3A_430 : vector<64x512xf32> to vector<64x512xbf16>
      %swap3A_432 = arith.constant 6 : index
      %swap3A_433 = arith.constant 64 : index
      %swap3A_434 = arith.constant 0 : index
      %swap3A_435 = vector.load %arg9[%swap3A_432, %swap3A_433, %swap3A_434] : memref<7x128x512xbf16, #tpu.memory_space<vmem>>, vector<1x64x512xbf16>
      %swap3A_436 = vector.shape_cast %swap3A_435 : vector<1x64x512xbf16> to vector<64x512xbf16>
      %swap3A_437 = vector.shape_cast %convert_element_type3A_431 : vector<64x512xbf16> to vector<1x64x512xbf16>
      tpu.vector_store %arg9[%swap3A_432, %swap3A_433, %swap3A_434], %swap3A_437 {strides = array<i32>} : memref<7x128x512xbf16, #tpu.memory_space<vmem>>, vector<1x64x512xbf16>,
    } else {
    }
    %get3A = arith.constant 0 : index
    %get3A_2 = arith.constant 0 : index
    %get3A_3 = arith.constant 0 : index
    %get3A_4 = vector.load %arg2[%get3A, %get3A_2, %get3A_3] : memref<1x64x2048xf32, #tpu.memory_space<vmem>>, vector<1x64x2048xf32>
    %get3A_5 = vector.shape_cast %get3A_4 : vector<1x64x2048xf32> to vector<64x2048xf32>
    %mul3A = arith.mulf %get3A_5, %get3A_5 : vector<64x2048xf32>
    %reduce_sum3A = arith.constant dense<0.000000e+00> : vector<2048xf32>
    %reduce_sum3A_6 = vector.multi_reduction <add>, %mul3A, %reduce_sum3A [0] : vector<64x2048xf32> to vector<2048xf32>
    %broadcast_in_dim3A = vector.shape_cast %reduce_sum3A_6 : vector<2048xf32> to vector<1x2048xf32>
    %sqrt3A = math.sqrt %broadcast_in_dim3A : vector<1x2048xf32>
    %jit3A = arith.constant 9.99999996E-13 : f32
    %max3A = vector.broadcast %jit3A : f32 to vector<1x2048xf32>
    %max3A_7 = arith.maximumf %max3A, %sqrt3A : vector<1x2048xf32>
    %div3A = vector.broadcast %max3A_7 : vector<1x2048xf32> to vector<64x2048xf32>
    %div3A_8 = arith.divf %get3A_5, %div3A : vector<64x2048xf32>
    %convert_element_type3A_9 = arith.truncf %div3A_8 : vector<64x2048xf32> to vector<64x2048xbf16>
    %get3A_10 = arith.constant 0 : index
    %get3A_11 = arith.constant 0 : index
    %get3A_12 = vector.load %arg10[%get3A_10, %get3A_11] : memref<64x512xbf16, #tpu.memory_space<vmem>>, vector<64x512xbf16>
    %dot_general3A = arith.constant dense<0.000000e+00> : vector<512x2048xf32>
    %dot_general3A_13 = tpu.matmul %get3A_12, %convert_element_type3A_9, %dot_general3A {dimension_numbers = #tpu.dot_dimension_numbers<[0], [0], [1], [1], [0, 1, 1, 1], [], []>, transpose_lhs_hint = false} : vector<64x512xbf16>, vector<64x2048xbf16>, vector<512x2048xf32> -> vector<512x2048xf32>
    %get3A_14 = arith.constant 0 : index
    %get3A_15 = arith.constant 0 : index
    %get3A_16 = arith.constant 0 : index
    %get3A_17 = vector.load %arg6[%get3A_14, %get3A_15, %get3A_16] : memref<8x64x64xf32, #tpu.memory_space<vmem>>, vector<1x64x64xf32>
    %get3A_18 = vector.shape_cast %get3A_17 : vector<1x64x64xf32> to vector<64x64xf32>
    %convert_element_type3A_19 = arith.truncf %get3A_18 : vector<64x64xf32> to vector<64x64xbf16>
    %convert_element_type3A_20 = arith.truncf %get3A_5 : vector<64x2048xf32> to vector<64x2048xbf16>
    %dot_general3A_21 = arith.constant dense<0.000000e+00> : vector<64x2048xf32>
    %dot_general3A_22 = tpu.matmul %convert_element_type3A_19, %convert_element_type3A_20, %dot_general3A_21 {dimension_numbers = #tpu.dot_dimension_numbers<[1], [0], [0], [1], [0, 0, 1, 1], [], []>, transpose_lhs_hint = false} : vector<64x64xbf16>, vector<64x2048xbf16>, vector<64x2048xf32> -> vector<64x2048xf32>
    %get3A_23 = arith.constant 0 : index
    %get3A_24 = arith.constant 0 : index
    %get3A_25 = vector.load %arg7[%get3A_23, %get3A_24] : memref<64x1xf32, #tpu.memory_space<vmem>>, vector<64x1xf32>
    %add3A = vector.broadcast %get3A_25 : vector<64x1xf32> to vector<64x2048xf32>
    %add3A_26 = arith.addf %dot_general3A_22, %add3A : vector<64x2048xf32>
    %iota3A = tpu.iota {dimensions = array<i32: 0>} : vector<512x2048xi32>
    %convert_element_type3A_27 = arith.sitofp %iota3A : vector<512x2048xi32> to vector<512x2048xf32>
    %reduce_max3A = arith.constant dense<0xFF800000> : vector<2048xf32>
    %reduce_max3A_28 = vector.multi_reduction <maximumf>, %dot_general3A_13, %reduce_max3A [0] : vector<512x2048xf32> to vector<2048xf32>
    %broadcast_in_dim3A_29 = vector.shape_cast %reduce_max3A_28 : vector<2048xf32> to vector<1x2048xf32>
    %eq3A_30 = vector.broadcast %broadcast_in_dim3A_29 : vector<1x2048xf32> to vector<512x2048xf32>
    %eq3A_31 = arith.cmpf oeq, %dot_general3A_13, %eq3A_30 : vector<512x2048xf32>
    %jit3A_32 = arith.constant 5.120000e+02 : f32
    %broadcast_in_dim3A_33 = vector.broadcast %jit3A_32 : f32 to vector<512x2048xf32>
    %select_n3A = arith.select %eq3A_31, %convert_element_type3A_27, %broadcast_in_dim3A_33 : vector<512x2048xi1>, vector<512x2048xf32>
    %reduce_min3A = arith.constant dense<0x7F800000> : vector<2048xf32>
    %reduce_min3A_34 = vector.multi_reduction <minimumf>, %select_n3A, %reduce_min3A [0] : vector<512x2048xf32> to vector<2048xf32>
    %broadcast_in_dim3A_35 = vector.shape_cast %reduce_min3A_34 : vector<2048xf32> to vector<1x2048xf32>
    %eq3A_36 = vector.broadcast %broadcast_in_dim3A_35 : vector<1x2048xf32> to vector<512x2048xf32>
    %eq3A_37 = arith.cmpf oeq, %select_n3A, %eq3A_36 : vector<512x2048xf32>
    %convert_element_type3A_38 = arith.extui %eq3A_37 : vector<512x2048xi1> to vector<512x2048xi32>
    %convert_element_type3A_39 = arith.sitofp %convert_element_type3A_38 : vector<512x2048xi32> to vector<512x2048xf32>
    %convert_element_type3A_40 = arith.truncf %convert_element_type3A_39 : vector<512x2048xf32> to vector<512x2048xbf16>
    %get3A_41 = arith.constant 0 : index
    %get3A_42 = arith.constant 0 : index
    %get3A_43 = arith.constant 0 : index
    %get3A_44 = vector.load %arg9[%get3A_41, %get3A_42, %get3A_43] : memref<7x128x512xbf16, #tpu.memory_space<vmem>>, vector<1x128x512xbf16>
    %get3A_45 = vector.shape_cast %get3A_44 : vector<1x128x512xbf16> to vector<128x512xbf16>
    %dot_general3A_46 = arith.constant dense<0.000000e+00> : vector<128x2048xf32>
    %dot_general3A_47 = tpu.matmul %get3A_45, %convert_element_type3A_40, %dot_general3A_46 {dimension_numbers = #tpu.dot_dimension_numbers<[1], [0], [0], [1], [0, 0, 1, 1], [], []>, transpose_lhs_hint = false} : vector<128x512xbf16>, vector<512x2048xbf16>, vector<128x2048xf32> -> vector<128x2048xf32>
    %slice3A = vector.extract_strided_slice %dot_general3A_47 {offsets = [0, 0], sizes = [64, 2048], strides = [1, 1]} : vector<128x2048xf32> to vector<64x2048xf32>
    %add3A_48 = arith.addf %add3A_26, %slice3A : vector<64x2048xf32>
    %slice3A_49 = vector.extract_strided_slice %dot_general3A_47 {offsets = [64, 0], sizes = [64, 2048], strides = [1, 1]} : vector<128x2048xf32> to vector<64x2048xf32>
    %add3A_50 = arith.addf %add3A_48, %slice3A_49 : vector<64x2048xf32>
    %jit3A_51 = arith.constant -1.000000e+30 : f32
    %broadcast_in_dim3A_52 = vector.broadcast %jit3A_51 : f32 to vector<512x2048xf32>
    %select_n3A_53 = arith.select %eq3A_37, %broadcast_in_dim3A_52, %dot_general3A_13 : vector<512x2048xi1>, vector<512x2048xf32>
    %reduce_max3A_54 = arith.constant dense<0xFF800000> : vector<2048xf32>
    %reduce_max3A_55 = vector.multi_reduction <maximumf>, %select_n3A_53, %reduce_max3A_54 [0] : vector<512x2048xf32> to vector<2048xf32>
    %broadcast_in_dim3A_56 = vector.shape_cast %reduce_max3A_55 : vector<2048xf32> to vector<1x2048xf32>
    %eq3A_57 = vector.broadcast %broadcast_in_dim3A_56 : vector<1x2048xf32> to vector<512x2048xf32>
    %eq3A_58 = arith.cmpf oeq, %select_n3A_53, %eq3A_57 : vector<512x2048xf32>
    %jit3A_59 = arith.constant 5.120000e+02 : f32
    %broadcast_in_dim3A_60 = vector.broadcast %jit3A_59 : f32 to vector<512x2048xf32>
    %select_n3A_61 = arith.select %eq3A_58, %convert_element_type3A_27, %broadcast_in_dim3A_60 : vector<512x2048xi1>, vector<512x2048xf32>
    %reduce_min3A_62 = arith.constant dense<0x7F800000> : vector<2048xf32>
    %reduce_min3A_63 = vector.multi_reduction <minimumf>, %select_n3A_61, %reduce_min3A_62 [0] : vector<512x2048xf32> to vector<2048xf32>
    %broadcast_in_dim3A_64 = vector.shape_cast %reduce_min3A_63 : vector<2048xf32> to vector<1x2048xf32>
    %eq3A_65 = vector.broadcast %broadcast_in_dim3A_64 : vector<1x2048xf32> to vector<512x2048xf32>
    %eq3A_66 = arith.cmpf oeq, %select_n3A_61, %eq3A_65 : vector<512x2048xf32>
    %convert_element_type3A_67 = arith.extui %eq3A_66 : vector<512x2048xi1> to vector<512x2048xi32>
    %convert_element_type3A_68 = arith.sitofp %convert_element_type3A_67 : vector<512x2048xi32> to vector<512x2048xf32>
    %convert_element_type3A_69 = arith.truncf %convert_element_type3A_68 : vector<512x2048xf32> to vector<512x2048xbf16>
    %get3A_70 = arith.constant 1 : index
    %get3A_71 = arith.constant 0 : index
    %get3A_72 = arith.constant 0 : index
    %get3A_73 = vector.load %arg9[%get3A_70, %get3A_71, %get3A_72] : memref<7x128x512xbf16, #tpu.memory_space<vmem>>, vector<1x128x512xbf16>
    %get3A_74 = vector.shape_cast %get3A_73 : vector<1x128x512xbf16> to vector<128x512xbf16>
    %dot_general3A_75 = arith.constant dense<0.000000e+00> : vector<128x2048xf32>
    %dot_general3A_76 = tpu.matmul %get3A_74, %convert_element_type3A_69, %dot_general3A_75 {dimension_numbers = #tpu.dot_dimension_numbers<[1], [0], [0], [1], [0, 0, 1, 1], [], []>, transpose_lhs_hint = false} : vector<128x512xbf16>, vector<512x2048xbf16>, vector<128x2048xf32> -> vector<128x2048xf32>
    %slice3A_77 = vector.extract_strided_slice %dot_general3A_76 {offsets = [0, 0], sizes = [64, 2048], strides = [1, 1]} : vector<128x2048xf32> to vector<64x2048xf32>
    %add3A_78 = arith.addf %add3A_50, %slice3A_77 : vector<64x2048xf32>
    %slice3A_79 = vector.extract_strided_slice %dot_general3A_76 {offsets = [64, 0], sizes = [64, 2048], strides = [1, 1]} : vector<128x2048xf32> to vector<64x2048xf32>
    %add3A_80 = arith.addf %add3A_78, %slice3A_79 : vector<64x2048xf32>
    %jit3A_81 = arith.constant -1.000000e+30 : f32
    %broadcast_in_dim3A_82 = vector.broadcast %jit3A_81 : f32 to vector<512x2048xf32>
    %select_n3A_83 = arith.select %eq3A_66, %broadcast_in_dim3A_82, %select_n3A_53 : vector<512x2048xi1>, vector<512x2048xf32>
    %reduce_max3A_84 = arith.constant dense<0xFF800000> : vector<2048xf32>
    %reduce_max3A_85 = vector.multi_reduction <maximumf>, %select_n3A_83, %reduce_max3A_84 [0] : vector<512x2048xf32> to vector<2048xf32>
    %broadcast_in_dim3A_86 = vector.shape_cast %reduce_max3A_85 : vector<2048xf32> to vector<1x2048xf32>
    %eq3A_87 = vector.broadcast %broadcast_in_dim3A_86 : vector<1x2048xf32> to vector<512x2048xf32>
    %eq3A_88 = arith.cmpf oeq, %select_n3A_83, %eq3A_87 : vector<512x2048xf32>
    %jit3A_89 = arith.constant 5.120000e+02 : f32
    %broadcast_in_dim3A_90 = vector.broadcast %jit3A_89 : f32 to vector<512x2048xf32>
    %select_n3A_91 = arith.select %eq3A_88, %convert_element_type3A_27, %broadcast_in_dim3A_90 : vector<512x2048xi1>, vector<512x2048xf32>
    %reduce_min3A_92 = arith.constant dense<0x7F800000> : vector<2048xf32>
    %reduce_min3A_93 = vector.multi_reduction <minimumf>, %select_n3A_91, %reduce_min3A_92 [0] : vector<512x2048xf32> to vector<2048xf32>
    %broadcast_in_dim3A_94 = vector.shape_cast %reduce_min3A_93 : vector<2048xf32> to vector<1x2048xf32>
    %eq3A_95 = vector.broadcast %broadcast_in_dim3A_94 : vector<1x2048xf32> to vector<512x2048xf32>
    %eq3A_96 = arith.cmpf oeq, %select_n3A_91, %eq3A_95 : vector<512x2048xf32>
    %convert_element_type3A_97 = arith.extui %eq3A_96 : vector<512x2048xi1> to vector<512x2048xi32>
    %convert_element_type3A_98 = arith.sitofp %convert_element_type3A_97 : vector<512x2048xi32> to vector<512x2048xf32>
    %convert_element_type3A_99 = arith.truncf %convert_element_type3A_98 : vector<512x2048xf32> to vector<512x2048xbf16>
    %get3A_100 = arith.constant 2 : index
    %get3A_101 = arith.constant 0 : index
    %get3A_102 = arith.constant 0 : index
    %get3A_103 = vector.load %arg9[%get3A_100, %get3A_101, %get3A_102] : memref<7x128x512xbf16, #tpu.memory_space<vmem>>, vector<1x128x512xbf16>
    %get3A_104 = vector.shape_cast %get3A_103 : vector<1x128x512xbf16> to vector<128x512xbf16>
    %dot_general3A_105 = arith.constant dense<0.000000e+00> : vector<128x2048xf32>
    %dot_general3A_106 = tpu.matmul %get3A_104, %convert_element_type3A_99, %dot_general3A_105 {dimension_numbers = #tpu.dot_dimension_numbers<[1], [0], [0], [1], [0, 0, 1, 1], [], []>, transpose_lhs_hint = false} : vector<128x512xbf16>, vector<512x2048xbf16>, vector<128x2048xf32> -> vector<128x2048xf32>
    %slice3A_107 = vector.extract_strided_slice %dot_general3A_106 {offsets = [0, 0], sizes = [64, 2048], strides = [1, 1]} : vector<128x2048xf32> to vector<64x2048xf32>
    %add3A_108 = arith.addf %add3A_80, %slice3A_107 : vector<64x2048xf32>
    %slice3A_109 = vector.extract_strided_slice %dot_general3A_106 {offsets = [64, 0], sizes = [64, 2048], strides = [1, 1]} : vector<128x2048xf32> to vector<64x2048xf32>
    %add3A_110 = arith.addf %add3A_108, %slice3A_109 : vector<64x2048xf32>
    %jit3A_111 = arith.constant -1.000000e+30 : f32
    %broadcast_in_dim3A_112 = vector.broadcast %jit3A_111 : f32 to vector<512x2048xf32>
    %select_n3A_113 = arith.select %eq3A_96, %broadcast_in_dim3A_112, %select_n3A_83 : vector<512x2048xi1>, vector<512x2048xf32>
    %reduce_max3A_114 = arith.constant dense<0xFF800000> : vector<2048xf32>
    %reduce_max3A_115 = vector.multi_reduction <maximumf>, %select_n3A_113, %reduce_max3A_114 [0] : vector<512x2048xf32> to vector<2048xf32>
    %broadcast_in_dim3A_116 = vector.shape_cast %reduce_max3A_115 : vector<2048xf32> to vector<1x2048xf32>
    %eq3A_117 = vector.broadcast %broadcast_in_dim3A_116 : vector<1x2048xf32> to vector<512x2048xf32>
    %eq3A_118 = arith.cmpf oeq, %select_n3A_113, %eq3A_117 : vector<512x2048xf32>
    %jit3A_119 = arith.constant 5.120000e+02 : f32
    %broadcast_in_dim3A_120 = vector.broadcast %jit3A_119 : f32 to vector<512x2048xf32>
    %select_n3A_121 = arith.select %eq3A_118, %convert_element_type3A_27, %broadcast_in_dim3A_120 : vector<512x2048xi1>, vector<512x2048xf32>
    %reduce_min3A_122 = arith.constant dense<0x7F800000> : vector<2048xf32>
    %reduce_min3A_123 = vector.multi_reduction <minimumf>, %select_n3A_121, %reduce_min3A_122 [0] : vector<512x2048xf32> to vector<2048xf32>
    %broadcast_in_dim3A_124 = vector.shape_cast %reduce_min3A_123 : vector<2048xf32> to vector<1x2048xf32>
    %eq3A_125 = vector.broadcast %broadcast_in_dim3A_124 : vector<1x2048xf32> to vector<512x2048xf32>
    %eq3A_126 = arith.cmpf oeq, %select_n3A_121, %eq3A_125 : vector<512x2048xf32>
    %convert_element_type3A_127 = arith.extui %eq3A_126 : vector<512x2048xi1> to vector<512x2048xi32>
    %convert_element_type3A_128 = arith.sitofp %convert_element_type3A_127 : vector<512x2048xi32> to vector<512x2048xf32>
    %convert_element_type3A_129 = arith.truncf %convert_element_type3A_128 : vector<512x2048xf32> to vector<512x2048xbf16>
    %get3A_130 = arith.constant 3 : index
    %get3A_131 = arith.constant 0 : index
    %get3A_132 = arith.constant 0 : index
    %get3A_133 = vector.load %arg9[%get3A_130, %get3A_131, %get3A_132] : memref<7x128x512xbf16, #tpu.memory_space<vmem>>, vector<1x128x512xbf16>
    %get3A_134 = vector.shape_cast %get3A_133 : vector<1x128x512xbf16> to vector<128x512xbf16>
    %dot_general3A_135 = arith.constant dense<0.000000e+00> : vector<128x2048xf32>
    %dot_general3A_136 = tpu.matmul %get3A_134, %convert_element_type3A_129, %dot_general3A_135 {dimension_numbers = #tpu.dot_dimension_numbers<[1], [0], [0], [1], [0, 0, 1, 1], [], []>, transpose_lhs_hint = false} : vector<128x512xbf16>, vector<512x2048xbf16>, vector<128x2048xf32> -> vector<128x2048xf32>
    %slice3A_137 = vector.extract_strided_slice %dot_general3A_136 {offsets = [0, 0], sizes = [64, 2048], strides = [1, 1]} : vector<128x2048xf32> to vector<64x2048xf32>
    %add3A_138 = arith.addf %add3A_110, %slice3A_137 : vector<64x2048xf32>
    %slice3A_139 = vector.extract_strided_slice %dot_general3A_136 {offsets = [64, 0], sizes = [64, 2048], strides = [1, 1]} : vector<128x2048xf32> to vector<64x2048xf32>
    %add3A_140 = arith.addf %add3A_138, %slice3A_139 : vector<64x2048xf32>
    %jit3A_141 = arith.constant -1.000000e+30 : f32
    %broadcast_in_dim3A_142 = vector.broadcast %jit3A_141 : f32 to vector<512x2048xf32>
    %select_n3A_143 = arith.select %eq3A_126, %broadcast_in_dim3A_142, %select_n3A_113 : vector<512x2048xi1>, vector<512x2048xf32>
    %reduce_max3A_144 = arith.constant dense<0xFF800000> : vector<2048xf32>
    %reduce_max3A_145 = vector.multi_reduction <maximumf>, %select_n3A_143, %reduce_max3A_144 [0] : vector<512x2048xf32> to vector<2048xf32>
    %broadcast_in_dim3A_146 = vector.shape_cast %reduce_max3A_145 : vector<2048xf32> to vector<1x2048xf32>
    %eq3A_147 = vector.broadcast %broadcast_in_dim3A_146 : vector<1x2048xf32> to vector<512x2048xf32>
    %eq3A_148 = arith.cmpf oeq, %select_n3A_143, %eq3A_147 : vector<512x2048xf32>
    %jit3A_149 = arith.constant 5.120000e+02 : f32
    %broadcast_in_dim3A_150 = vector.broadcast %jit3A_149 : f32 to vector<512x2048xf32>
    %select_n3A_151 = arith.select %eq3A_148, %convert_element_type3A_27, %broadcast_in_dim3A_150 : vector<512x2048xi1>, vector<512x2048xf32>
    %reduce_min3A_152 = arith.constant dense<0x7F800000> : vector<2048xf32>
    %reduce_min3A_153 = vector.multi_reduction <minimumf>, %select_n3A_151, %reduce_min3A_152 [0] : vector<512x2048xf32> to vector<2048xf32>
    %broadcast_in_dim3A_154 = vector.shape_cast %reduce_min3A_153 : vector<2048xf32> to vector<1x2048xf32>
    %eq3A_155 = vector.broadcast %broadcast_in_dim3A_154 : vector<1x2048xf32> to vector<512x2048xf32>
    %eq3A_156 = arith.cmpf oeq, %select_n3A_151, %eq3A_155 : vector<512x2048xf32>
    %convert_element_type3A_157 = arith.extui %eq3A_156 : vector<512x2048xi1> to vector<512x2048xi32>
    %convert_element_type3A_158 = arith.sitofp %convert_element_type3A_157 : vector<512x2048xi32> to vector<512x2048xf32>
    %convert_element_type3A_159 = arith.truncf %convert_element_type3A_158 : vector<512x2048xf32> to vector<512x2048xbf16>
    %get3A_160 = arith.constant 4 : index
    %get3A_161 = arith.constant 0 : index
    %get3A_162 = arith.constant 0 : index
    %get3A_163 = vector.load %arg9[%get3A_160, %get3A_161, %get3A_162] : memref<7x128x512xbf16, #tpu.memory_space<vmem>>, vector<1x128x512xbf16>
    %get3A_164 = vector.shape_cast %get3A_163 : vector<1x128x512xbf16> to vector<128x512xbf16>
    %dot_general3A_165 = arith.constant dense<0.000000e+00> : vector<128x2048xf32>
    %dot_general3A_166 = tpu.matmul %get3A_164, %convert_element_type3A_159, %dot_general3A_165 {dimension_numbers = #tpu.dot_dimension_numbers<[1], [0], [0], [1], [0, 0, 1, 1], [], []>, transpose_lhs_hint = false} : vector<128x512xbf16>, vector<512x2048xbf16>, vector<128x2048xf32> -> vector<128x2048xf32>
    %slice3A_167 = vector.extract_strided_slice %dot_general3A_166 {offsets = [0, 0], sizes = [64, 2048], strides = [1, 1]} : vector<128x2048xf32> to vector<64x2048xf32>
    %add3A_168 = arith.addf %add3A_140, %slice3A_167 : vector<64x2048xf32>
    %slice3A_169 = vector.extract_strided_slice %dot_general3A_166 {offsets = [64, 0], sizes = [64, 2048], strides = [1, 1]} : vector<128x2048xf32> to vector<64x2048xf32>
    %add3A_170 = arith.addf %add3A_168, %slice3A_169 : vector<64x2048xf32>
    %jit3A_171 = arith.constant -1.000000e+30 : f32
    %broadcast_in_dim3A_172 = vector.broadcast %jit3A_171 : f32 to vector<512x2048xf32>
    %select_n3A_173 = arith.select %eq3A_156, %broadcast_in_dim3A_172, %select_n3A_143 : vector<512x2048xi1>, vector<512x2048xf32>
    %reduce_max3A_174 = arith.constant dense<0xFF800000> : vector<2048xf32>
    %reduce_max3A_175 = vector.multi_reduction <maximumf>, %select_n3A_173, %reduce_max3A_174 [0] : vector<512x2048xf32> to vector<2048xf32>
    %broadcast_in_dim3A_176 = vector.shape_cast %reduce_max3A_175 : vector<2048xf32> to vector<1x2048xf32>
    %eq3A_177 = vector.broadcast %broadcast_in_dim3A_176 : vector<1x2048xf32> to vector<512x2048xf32>
    %eq3A_178 = arith.cmpf oeq, %select_n3A_173, %eq3A_177 : vector<512x2048xf32>
    %jit3A_179 = arith.constant 5.120000e+02 : f32
    %broadcast_in_dim3A_180 = vector.broadcast %jit3A_179 : f32 to vector<512x2048xf32>
    %select_n3A_181 = arith.select %eq3A_178, %convert_element_type3A_27, %broadcast_in_dim3A_180 : vector<512x2048xi1>, vector<512x2048xf32>
    %reduce_min3A_182 = arith.constant dense<0x7F800000> : vector<2048xf32>
    %reduce_min3A_183 = vector.multi_reduction <minimumf>, %select_n3A_181, %reduce_min3A_182 [0] : vector<512x2048xf32> to vector<2048xf32>
    %broadcast_in_dim3A_184 = vector.shape_cast %reduce_min3A_183 : vector<2048xf32> to vector<1x2048xf32>
    %eq3A_185 = vector.broadcast %broadcast_in_dim3A_184 : vector<1x2048xf32> to vector<512x2048xf32>
    %eq3A_186 = arith.cmpf oeq, %select_n3A_181, %eq3A_185 : vector<512x2048xf32>
    %convert_element_type3A_187 = arith.extui %eq3A_186 : vector<512x2048xi1> to vector<512x2048xi32>
    %convert_element_type3A_188 = arith.sitofp %convert_element_type3A_187 : vector<512x2048xi32> to vector<512x2048xf32>
    %convert_element_type3A_189 = arith.truncf %convert_element_type3A_188 : vector<512x2048xf32> to vector<512x2048xbf16>
    %get3A_190 = arith.constant 5 : index
    %get3A_191 = arith.constant 0 : index
    %get3A_192 = arith.constant 0 : index
    %get3A_193 = vector.load %arg9[%get3A_190, %get3A_191, %get3A_192] : memref<7x128x512xbf16, #tpu.memory_space<vmem>>, vector<1x128x512xbf16>
    %get3A_194 = vector.shape_cast %get3A_193 : vector<1x128x512xbf16> to vector<128x512xbf16>
    %dot_general3A_195 = arith.constant dense<0.000000e+00> : vector<128x2048xf32>
    %dot_general3A_196 = tpu.matmul %get3A_194, %convert_element_type3A_189, %dot_general3A_195 {dimension_numbers = #tpu.dot_dimension_numbers<[1], [0], [0], [1], [0, 0, 1, 1], [], []>, transpose_lhs_hint = false} : vector<128x512xbf16>, vector<512x2048xbf16>, vector<128x2048xf32> -> vector<128x2048xf32>
    %slice3A_197 = vector.extract_strided_slice %dot_general3A_196 {offsets = [0, 0], sizes = [64, 2048], strides = [1, 1]} : vector<128x2048xf32> to vector<64x2048xf32>
    %add3A_198 = arith.addf %add3A_170, %slice3A_197 : vector<64x2048xf32>
    %slice3A_199 = vector.extract_strided_slice %dot_general3A_196 {offsets = [64, 0], sizes = [64, 2048], strides = [1, 1]} : vector<128x2048xf32> to vector<64x2048xf32>
    %add3A_200 = arith.addf %add3A_198, %slice3A_199 : vector<64x2048xf32>
    %jit3A_201 = arith.constant -1.000000e+30 : f32
    %broadcast_in_dim3A_202 = vector.broadcast %jit3A_201 : f32 to vector<512x2048xf32>
    %select_n3A_203 = arith.select %eq3A_186, %broadcast_in_dim3A_202, %select_n3A_173 : vector<512x2048xi1>, vector<512x2048xf32>
    %reduce_max3A_204 = arith.constant dense<0xFF800000> : vector<2048xf32>
    %reduce_max3A_205 = vector.multi_reduction <maximumf>, %select_n3A_203, %reduce_max3A_204 [0] : vector<512x2048xf32> to vector<2048xf32>
    %broadcast_in_dim3A_206 = vector.shape_cast %reduce_max3A_205 : vector<2048xf32> to vector<1x2048xf32>
    %eq3A_207 = vector.broadcast %broadcast_in_dim3A_206 : vector<1x2048xf32> to vector<512x2048xf32>
    %eq3A_208 = arith.cmpf oeq, %select_n3A_203, %eq3A_207 : vector<512x2048xf32>
    %jit3A_209 = arith.constant 5.120000e+02 : f32
    %broadcast_in_dim3A_210 = vector.broadcast %jit3A_209 : f32 to vector<512x2048xf32>
    %select_n3A_211 = arith.select %eq3A_208, %convert_element_type3A_27, %broadcast_in_dim3A_210 : vector<512x2048xi1>, vector<512x2048xf32>
    %reduce_min3A_212 = arith.constant dense<0x7F800000> : vector<2048xf32>
    %reduce_min3A_213 = vector.multi_reduction <minimumf>, %select_n3A_211, %reduce_min3A_212 [0] : vector<512x2048xf32> to vector<2048xf32>
    %broadcast_in_dim3A_214 = vector.shape_cast %reduce_min3A_213 : vector<2048xf32> to vector<1x2048xf32>
    %eq3A_215 = vector.broadcast %broadcast_in_dim3A_214 : vector<1x2048xf32> to vector<512x2048xf32>
    %eq3A_216 = arith.cmpf oeq, %select_n3A_211, %eq3A_215 : vector<512x2048xf32>
    %convert_element_type3A_217 = arith.extui %eq3A_216 : vector<512x2048xi1> to vector<512x2048xi32>
    %convert_element_type3A_218 = arith.sitofp %convert_element_type3A_217 : vector<512x2048xi32> to vector<512x2048xf32>
    %convert_element_type3A_219 = arith.truncf %convert_element_type3A_218 : vector<512x2048xf32> to vector<512x2048xbf16>
    %get3A_220 = arith.constant 6 : index
    %get3A_221 = arith.constant 0 : index
    %get3A_222 = arith.constant 0 : index
    %get3A_223 = vector.load %arg9[%get3A_220, %get3A_221, %get3A_222] : memref<7x128x512xbf16, #tpu.memory_space<vmem>>, vector<1x128x512xbf16>
    %get3A_224 = vector.shape_cast %get3A_223 : vector<1x128x512xbf16> to vector<128x512xbf16>
    %dot_general3A_225 = arith.constant dense<0.000000e+00> : vector<128x2048xf32>
    %dot_general3A_226 = tpu.matmul %get3A_224, %convert_element_type3A_219, %dot_general3A_225 {dimension_numbers = #tpu.dot_dimension_numbers<[1], [0], [0], [1], [0, 0, 1, 1], [], []>, transpose_lhs_hint = false} : vector<128x512xbf16>, vector<512x2048xbf16>, vector<128x2048xf32> -> vector<128x2048xf32>
    %slice3A_227 = vector.extract_strided_slice %dot_general3A_226 {offsets = [0, 0], sizes = [64, 2048], strides = [1, 1]} : vector<128x2048xf32> to vector<64x2048xf32>
    %add3A_228 = arith.addf %add3A_200, %slice3A_227 : vector<64x2048xf32>
    %slice3A_229 = vector.extract_strided_slice %dot_general3A_226 {offsets = [64, 0], sizes = [64, 2048], strides = [1, 1]} : vector<128x2048xf32> to vector<64x2048xf32>
    %add3A_230 = arith.addf %add3A_228, %slice3A_229 : vector<64x2048xf32>
    %swap3A = arith.constant 0 : index
    %swap3A_231 = arith.constant 0 : index
    %swap3A_232 = arith.constant 0 : index
    %swap3A_233 = vector.load %arg8[%swap3A, %swap3A_231, %swap3A_232] : memref<1x64x2048xf32, #tpu.memory_space<vmem>>, vector<1x64x2048xf32>
    %swap3A_234 = vector.shape_cast %swap3A_233 : vector<1x64x2048xf32> to vector<64x2048xf32>
    %swap3A_235 = vector.shape_cast %add3A_230 : vector<64x2048xf32> to vector<1x64x2048xf32>
    tpu.vector_store %arg8[%swap3A, %swap3A_231, %swap3A_232], %swap3A_235 {strides = array<i32>} : memref<1x64x2048xf32, #tpu.memory_space<vmem>>, vector<1x64x2048xf32>,
    return
  }
  func.func @transform_0(%arg0: i32, %arg1: i32) -> (i32, i32, i32) {
    %c0_i32 = arith.constant 0 : i32
    %c0_i32_0 = arith.constant 0 : i32
    return %arg0, %c0_i32, %arg1 : i32, i32, i32
  }
  func.func @transform_1(%arg0: i32, %arg1: i32) -> (i32, i32, i32) {
    %c0_i32 = arith.constant 0 : i32
    %c0_i32_0 = arith.constant 0 : i32
    %c0_i32_1 = arith.constant 0 : i32
    return %arg0, %c0_i32, %c0_i32_0 : i32, i32, i32
  }
  func.func @transform_2(%arg0: i32, %arg1: i32) -> (i32, i32, i32) {
    %c0_i32 = arith.constant 0 : i32
    %c0_i32_0 = arith.constant 0 : i32
    %c0_i32_1 = arith.constant 0 : i32
    return %arg0, %c0_i32, %c0_i32_0 : i32, i32, i32
  }
  func.func @transform_3(%arg0: i32, %arg1: i32) -> (i32, i32) {
    %c0_i32 = arith.constant 0 : i32
    %c0_i32_0 = arith.constant 0 : i32
    %c0_i32_1 = arith.constant 0 : i32
    return %c0_i32, %c0_i32_0 : i32, i32
  }
  func.func @transform_4(%arg0: i32, %arg1: i32) -> (i32, i32, i32) {
    %c0_i32 = arith.constant 0 : i32
    %c0_i32_0 = arith.constant 0 : i32
    %c0_i32_1 = arith.constant 0 : i32
    %c0_i32_2 = arith.constant 0 : i32
    return %c0_i32, %c0_i32_0, %c0_i32_1 : i32, i32, i32
  }
  func.func @transform_5(%arg0: i32, %arg1: i32) -> (i32, i32) {
    %c0_i32 = arith.constant 0 : i32
    %c0_i32_0 = arith.constant 0 : i32
    %c0_i32_1 = arith.constant 0 : i32
    return %c0_i32, %c0_i32_0 : i32, i32
  }
  func.func @transform_6(%arg0: i32, %arg1: i32) -> (i32, i32, i32) {
    %c0_i32 = arith.constant 0 : i32
    %c0_i32_0 = arith.constant 0 : i32
    return %arg0, %c0_i32, %arg1 : i32, i32, i32
  }
}

</mosaic_0001>

<sc_bundles>
// kernel: kernel.4.cloned.1.call-start
scs
__scs_entry_jumppad:
0x0: {  	(pc) =	sbr.rel $0x88, $3  }
0x1: {  	(tag) =	ssettag $0x0;
	lr =	simm.s32 $0x1  }
0x2: {  	[smem:$0x3F9C] =	sst lr;
	_ =	strace $0xD0000000  }
0x3: {  	_ = 	snop  }
0x4: {  	_ = 	snop  }
0x5: {  	_ = 	snop  }
0x6: {  	_ = 	snop  }
0x7: {  	_ = 	snop  }
__scs_overlays_trampoline_lowered:
0x8: {  	[smem:$0x3FAB] =	sst s0  }
0x9: {  	[smem:$0x3FAC] =	sst s1  }
0xa: {  	[smem:$0x3FAD] =	sst s2  }
0xb: {  	[smem:$0x3FAE] =	sst s3  }
0xc: {  	[smem:$0x3FAF] =	sst s4  }
0xd: {  	[smem:$0x3FB0] =	sst s5  }
0xe: {  	[smem:$0x3FB1] =	sst s6  }
0xf: {  	[smem:$0x3FB2] =	sst s7  }
0x10: {  	[smem:$0x3FB3] =	sst s8  }
0x11: {  	[smem:$0x3FB4] =	sst s9;
	s0 =	simm.s32 @!p0 $0x0  }
0x12: {  	s1 =	sld [smem:$0x3F9A];
	s0 =	simm.s32 @p0 $0x1  }
0x13: {  	[smem:$0x3FB5] =	sst s0;
	s0 =	simm.s32 @!p1 $0x0  }
0x14: {  	s2 =	sld [smem:$0x3F99];
	s0 =	simm.s32 @p1 $0x1  }
0x15: {  	[smem:$0x3FB6] =	sst s0;
	s0 =	simm.s32 @!p2 $0x0  }
0x16: {  	s3 =	sld [smem:$0x3FDB];
	s0 =	simm.s32 @p2 $0x1  }
0x17: {  	s4 =	simm.s32 $0x1BF5;
	[smem:$0x3FB8] =	sst s0  }
0x18: {  	s0 =	sld [smem:$0x3F9B];
	_ =	swait.ge [sflag:s4], $0x0  }
0x19: {  	s7 =	sld [smem:$0x3F9C]  }
0x1a: {  	s8 =	sadd.s32 $0xFFFFE003, lr  }
0x1b: {  	s9 =	sadd.s32 $0xFFFFFEF7, lr;
	s5 =	simm.s32 $0xFFFFFFFF;
	p2 =	slt.u32 s8, $0xFFFFF086  }
0x1c: {  	p1 =	slt.u32 s9, $0xF7A;
	s5 =	simm.s32 @!p2 $0x0  }
0x1d: {  	s5 =	simm.s32 @p1 $0x1;
	p0 =	seq.s32 s7, s2  }
0x1e: {  	s7 =	smul.u32 @!p0 $0xF7A, s2;
	p2 =	seq.s32 @!p0 s5, $0x0  }
0x1f: {  	s9 =	smul.u32 $0xF7A, s1;
	s8 =	simm.s32 @!p0 $0x1BF5;
	p2 =	por !p2, p0  }
0x20: {  	[sflag:s8] =	ssyncset.s32 @!p0 $0xFFFFF086;
	s6 =	sadd.s32 @!p0 s3, s7;
	s7 =	simm.s32 @!p0 $0x108  }
0x21: {  	s3 =	sadd.s32 s3, s9;
	s6 =	sadd.s32 @!p0 $0x88, s6;
	s7 =	simm.s32 @p2 $0x1082  }
0x22: {  	[simem:s7], [sflag:s8] =	dma.local @!p0 [hbm:s6], $0xF7A  }
0x23: {  	s9 =	sor.u32 $0xD0000000, s2;
	s6 =	simm.s32 $0x108;
	_ =	swait.ge @!p0 [sflag:s8], $0x0  }
0x24: {  	s3 =	sadd.s32 $0x88, s3;
	s6 =	simm.s32 @!p1 $0x1082;
	[sflag:s4] =	ssyncset.s32 $0xFFFFF086  }
0x25: {  	[simem:s6], [sflag:s4] =	dma.local [hbm:s3], $0xF7A  }
0x26: {  	[smem:$0x3F9C] =	sst s1;
	(tag) =	ssettag s2;
	_ =	strace s9  }
0x27: {  	s1 =	sld [smem:$0x3FAC]  }
0x28: {  	s2 =	sld [smem:$0x3FAD]  }
0x29: {  	s4 =	sld [smem:$0x3FAF]  }
0x2a: {  	p0 =	seq.s32 s5, $0x0;
	s5 =	sld [smem:$0x3FB0]  }
0x2b: {  	s6 =	sld [smem:$0x3FB1]  }
0x2c: {  	s7 =	sld [smem:$0x3FB2]  }
0x2d: {  	s3 =	simm.s32 $0x108;
	s8 =	sld [smem:$0x3FB3]  }
0x2e: {  	s3 =	simm.s32 @!p0 $0x1082;
	s9 =	sld [smem:$0x3FB4]  }
0x2f: {  	lr =	sadd.s32 s0, s3;
	s0 =	sld [smem:$0x3FAB]  }
0x30: {  	s3 =	sld [smem:$0x3FAE]  }
0x31: {  	[smem:$0x3FB7] =	sst s10  }
0x32: {  	s10 =	sld [smem:$0x3FB5];
	_ =	sdelay $0x3  }
0x33: {  	p0 =	seq.s32 s10, $0x1;
	s10 =	sld [smem:$0x3FB7];
	_ =	sdelay $0x3  }
0x34: {  	[smem:$0x3FB7] =	sst s10  }
0x35: {  	s10 =	sld [smem:$0x3FB6];
	_ =	sdelay $0x3  }
0x36: {  	p1 =	seq.s32 s10, $0x1;
	s10 =	sld [smem:$0x3FB7];
	_ =	sdelay $0x3  }
0x37: {  	[smem:$0x3FB7] =	sst s10  }
0x38: {  	s10 =	sld [smem:$0x3FB8]  }
0x39: {  	_ = 	snop;
	(pc) =	sbr.ind lr, $3  }
0x3a: {  	_ = 	snop  }
0x3b: {  	_ = 	snop  }
0x3c: {  	p2 =	seq.s32 s10, $0x1;
	s10 =	sld [smem:$0x3FB7]  }
0x3d: {  	_ =	shalt  }
0x3e: {  	_ =	shalt  }
0x3f: {  	_ =	shalt  }
0x40: {  	_ =	shalt  }
0x41: {  	_ =	shalt  }
0x42: {  	_ =	shalt  }
0x43: {  	_ =	shalt  }
0x44: {  	_ =	shalt  }
0x45: {  	_ =	shalt  }
0x46: {  	_ =	shalt  }
0x47: {  	_ =	shalt  }
0x48: {  	_ =	shalt  }
0x49: {  	_ =	shalt  }
0x4a: {  	_ =	shalt  }
0x4b: {  	_ =	shalt  }
0x4c: {  	_ =	shalt  }
0x4d: {  	_ =	shalt  }
0x4e: {  	_ =	shalt  }
0x4f: {  	_ =	shalt  }
0x50: {  	_ =	shalt  }
0x51: {  	_ =	shalt  }
0x52: {  	_ =	shalt  }
0x53: {  	_ =	shalt  }
0x54: {  	_ =	shalt  }
0x55: {  	_ =	shalt  }
0x56: {  	_ =	shalt  }
0x57: {  	_ =	shalt  }
0x58: {  	_ =	shalt  }
0x59: {  	_ =	shalt  }
0x5a: {  	_ =	shalt  }
0x5b: {  	_ =	shalt  }
0x5c: {  	_ =	shalt  }
0x5d: {  	_ =	shalt  }
0x5e: {  	_ =	shalt  }
0x5f: {  	_ =	shalt  }
0x60: {  	_ =	shalt  }
0x61: {  	_ =	shalt  }
0x62: {  	_ =	shalt  }
0x63: {  	_ =	shalt  }
0x64: {  	_ =	shalt  }
0x65: {  	_ =	shalt  }
0x66: {  	_ =	shalt  }
0x67: {  	_ =	shalt  }
0x68: {  	_ =	shalt  }
0x69: {  	_ =	shalt  }
0x6a: {  	_ =	shalt  }
0x6b: {  	_ =	shalt  }
0x6c: {  	_ =	shalt  }
0x6d: {  	_ =	shalt  }
0x6e: {  	_ =	shalt  }
0x6f: {  	_ =	shalt  }
0x70: {  	_ =	shalt  }
0x71: {  	_ =	shalt  }
0x72: {  	_ =	shalt  }
0x73: {  	_ =	shalt  }
0x74: {  	_ =	shalt  }
0x75: {  	_ =	shalt  }
0x76: {  	_ =	shalt  }
0x77: {  	_ =	shalt  }
0x78: {  	_ =	shalt  }
0x79: {  	_ =	shalt  }
0x7a: {  	_ =	shalt  }
0x7b: {  	_ =	shalt  }
0x7c: {  	_ =	shalt  }
0x7d: {  	_ =	shalt  }
0x7e: {  	_ =	shalt  }
0x7f: {  	_ =	shalt  }
0x80: {  	_ =	shalt  }
0x81: {  	_ =	shalt  }
0x82: {  	_ =	shalt  }
0x83: {  	_ =	shalt  }
0x84: {  	_ =	shalt  }
0x85: {  	_ =	shalt  }
0x86: {  	_ =	shalt  }
0x87: {  	_ =	shalt  }
.Lfunc_end0:
.L_simem_size_0:
called_computation_lowered:
.L_overlay_start_0:
0x88: {  	s2 =	sld [smem:$0x3FD9]  }
0x89: {  	s3 =	sld [smem:$0x3FFE];
	_ =	sdelay $0x1  }
0x8a: {  	s1 =	srdreg.scid  }
0x8b: {  	s0 =	sand.u32 $0x1, s1  }
0x8c: {  	s17 =	sshll.u32 s0, $0xA;
	s2 =	sadd.s32 s3, s2  }
0x8d: {  	s2 =	sadd.s32 s2, s17  }
0x8e: {  	[smem:$0x3FC3] =	sst s2  }
0x8f: {  	_ = 	snop  }
0x90: {  	s2 =	sld [smem:$0x3FD0];
	(tm) =	ssettm $0x1  }
0x91: {  	s18 =	sld [smem:$0x3FFB];
	_ =	sdelay $0x3  }
0x92: {  	_ =	strace s18  }
0x93: {  	s3 =	sld [smem:$0x3FFC];
	_ =	sdelay $0x3  }
0x94: {  	_ =	strace s3  }
0x95: {  	s3 =	sld [smem:$0x3FFD];
	_ =	sdelay $0x3  }
0x96: {  	_ =	strace s3  }
0x97: {  	_ =	strace $0x8FFFFFFF  }
0x98: {  	s19 =	sld [smem:$0x3FDB];
	_ =	sdelay $0x1  }
0x99: {  	s4 =	simm.s32 $_scs_section_size  }
0x9a: {  	s5 =	simm.s32 $_size__tile_overlayer_lowered;
	s6 =	simm.s32 $_tile_overlayer_lowered  }
0x9b: {  	s22 =	simm.s32 $0x1BFF;
	s21 =	sshll.u32 s6, $0x1;
	s3 =	sadd.s32 s4, s19  }
0x9c: {  	s7 =	simm.s32 $0x0;
	s20 =	sshll.u32 s5, $0x1;
	s5 =	sadd.s32 s21, s3  }
0x9d: {  	[timem:s7], [sflag:s22] =	dma.local [hbm:s5], s20  }
0x9e: {  	_ =	swait.ge [sflag:s22], s20  }
0x9f: {  	s4 =	ssub.s32 $0x0, s20;
	[sflag:s22] =	ssyncset.done $0x0  }
0xa0: {  	[sflag:s22] =	ssyncadd.s32 s4;
	_ =	sdelay $0x1  }
0xa1: {  	s23 =	simm.s32 $0x1B8B  }
0xa2: {  	_ =	swait.ge [sflag:s23], $0x1  }
0xa3: {  	[sflag:s23] =	ssyncset.done $0x0  }
0xa4: {  	s25 =	simm.s32 $0x1B8E;
	s24 =	sld [smem:$0x3FFE];
	[sflag:s23] =	ssyncadd.s32 $0xFFFFFFFF  }
0xa5: {  	s26 =	simm.s32 $execute0_lowered;
	[smem:$0x3FD2] =	sst s25  }
0xa6: {  	s5 =	sshll.u32 s26, $0x1;
	_ =	strace $0x80000046;
	[dreg:$0x1] =	wrdreg $0xFFFFFFFF  }
0xa7: {  	s28 =	simm.s32 $_size_execute0_lowered;
	s3 =	sadd.s32 s3, s5;
	[dreg:$0x0] =	wrdreg $0x0  }
0xa8: {  	s5 =	sshll.u32 s28, $0x1;
	[dreg:$0x2] =	wrdreg s3  }
0xa9: {  	[dreg:$0x3] =	wrdreg s5  }
0xaa: {  	[dreg:$0x4] =	wrdreg $0xC0  }
0xab: {  	_ =	task [dreg:s7], $0x5FFFF  }
0xac: {  	[dreg:$0x1] =	wrdreg $0xFFFFFFFF  }
0xad: {  	[dreg:$0x0] =	wrdreg $0x60  }
0xae: {  	[dreg:$0x2] =	wrdreg s2  }
0xaf: {  	[dreg:$0x3] =	wrdreg s24  }
0xb0: {  	[dreg:$0x4] =	wrdreg $0x9  }
0xb1: {  	_ =	task.clear_ibuf [dreg:s7], $0x5FFFF;
	_ =	strace $0x90000046  }
0xb2: {  	s29 =	simm.s32 $0x9;
	_ =	strace $0x8000004F  }
0xb3: {  	_ =	swait.ge [sflag:s29], $0x1  }
0xb4: {  	[sflag:s29] =	ssyncadd.s32 $0xFFFFFFFF  }
0xb5: {  	_ =	strace $0x9000004F  }
0xb6: {  	_ =	sfence  }
0xb7: {  	s30 =	sld [smem:$0x0];
	_ =	sdelay $0x2  }
0xb8: {  	s31 =	sshll.u32 s1, $0xD;
	s1 =	sshrl.u32 s1, $0x2  }
0xb9: {  	s3 =	sand.u32 $0x4000, s31;
	s1 =	sadd.s32 s1, s30  }
0xba: {  	s0 =	sor.u32 s3, s0;
	s1 =	sshll.u32 s1, $0x11  }
0xbb: {  	s0 =	sor.u32 s1, s0  }
0xbc: {  	s0 =	sadd.s32 $0x8F2B, s0  }
0xbd: {  	[sflag:s0] =	ssyncadd.remote.s32 $0x1  }
0xbe: {  	_ =	sfence.sel $0xFFFF  }
0xbf: {  	[dreg:$0x0] =	wrdreg $0xFFFFFFFF;
	(pc) =	sbr.abs _section_cstart, $3  }
0xc0: {  	[dreg:$0x1] =	wrdreg $0xFFFFFFFF  }
0xc1: {  	_ =	task.clear_ibuf [dreg:s7], $0x2FFFF;
	_ =	strace $0x9FFFFFFF  }
0xc2: {  	(tm) =	ssettm $0x7FFFFFFF  }
0xc3: {  	_ =	shalt  }
tec
execute0_lowered:
.L_overlay_start_1:
0x0: {  	(tag) =	ssettag $0x1  }
0x1: {  	s2 =	rddreg [dreg:$0x0]  }
0x2: {  	s10 =	rddreg [dreg:$0x1];
	s3 =	simm.s32 $0x0;
	s1 =	stileid.u32  }
0x3: {  	[smem:$0x7FF] =	sst s3;
	s4 =	sshll.u32 s1, $0x5  }
0x4: {  	s0 =	rddreg [dreg:$0x2];
	_ =	strace $0x80000047;
	s5 =	sadd.s32 s4, s10  }
0x5: {  	s4 =	sadd.s32 $0x1E00, s5;
	_ =	strace $0x80000048  }
0x6: {  	[tilespmem:s3], [sflag:$0x1] =	stream.linear.gather [hbm4b:s4+s3], $0x80, $0x200038;
	[tilespmem:$0x8100] =	vst v63  }
0x7: {  	_ =	strace $0x90000048  }
0x8: {  	s6 =	simm.s32 $0x80;
	s5 =	sadd.s32 $0x1E10, s5;
	_ =	strace $0x80000049  }
0x9: {  	[tilespmem:s6], [sflag:$0x2] =	stream.linear.gather [hbm4b:s5+s3], $0x80, $0x200038;
	[tilespmem:$0x8100] =	vst v63  }
0xa: {  	_ =	strace $0x90000049  }
0xb: {  	s7 =	simm.s32 $0x1;
	_ =	strace $0x8000004A  }
0xc: {  	_ =	swait.ge [sflag:s7], $0x80  }
0xd: {  	[sflag:s7] =	ssyncset.done $0x0  }
0xe: {  	[sflag:s7] =	ssyncadd.s32 $0xFFFFFF80  }
0xf: {  	_ =	strace $0x9000004A  }
0x10: {  	s8 =	simm.s32 $0x100;
	s9 =	simm.s32 $0x5;
	_ =	strace $0x8000004B  }
0x11: {  	[tilespmem:s8], [sflag:$0x5] =	stream.indirect.gather [hbm4b:s2+s6], $0x80, s3, s6, $0x2000b8;
	[tilespmem:$0x8100] =	vst v63  }
0x12: {  	_ =	swait.ge [sflag:s9], $0x4000  }
0x13: {  	[sflag:s9] =	ssyncset.done $0x0  }
0x14: {  	s11 =	sshll.u32 s1, $0xC;
	[sflag:s9] =	ssyncadd.s32 $0xFFFFC000  }
0x15: {  	s13 =	sadd.s32 s11, s10;
	_ =	strace $0x9000004B  }
0x16: {  	s10 =	sadd.s32 $0x2000, s13;
	_ =	strace $0x8000004C  }
0x17: {  	[hbm4b:s10+s3] =	stream.linear.scatter [tilespmem:s8], [sflag:$0x3], $0x4000, $0x200038;
	[tilespmem:$0x8100] =	vst v63  }
0x18: {  	_ =	strace $0x9000004C  }
0x19: {  	s11 =	simm.s32 $0x2;
	_ =	strace $0x8000004A  }
0x1a: {  	_ =	swait.ge [sflag:s11], $0x80  }
0x1b: {  	[sflag:s11] =	ssyncset.done $0x0  }
0x1c: {  	[sflag:s11] =	ssyncadd.s32 $0xFFFFFF80  }
0x1d: {  	_ =	strace $0x9000004A  }
0x1e: {  	s12 =	simm.s32 $0x4100;
	_ =	strace $0x8000004B  }
0x1f: {  	[tilespmem:s12], [sflag:$0x5] =	stream.indirect.gather [hbm4b:s2+s6], $0x80, s6, s6, $0x2000b8;
	[tilespmem:$0x8100] =	vst v63  }
0x20: {  	_ =	swait.ge [sflag:s9], $0x4000  }
0x21: {  	[sflag:s9] =	ssyncset.done $0x0  }
0x22: {  	[sflag:s9] =	ssyncadd.s32 $0xFFFFC000  }
0x23: {  	s15 =	srdreg.scid;
	_ =	strace $0x9000004B  }
0x24: {  	s15 =	sand.u32 $0x1, s15;
	s13 =	sadd.s32 $0x2800, s13;
	_ =	strace $0x8000004C  }
0x25: {  	[hbm4b:s13+s3] =	stream.linear.scatter [tilespmem:s12], [sflag:$0x4], $0x4000, $0x200038;
	[tilespmem:$0x8100] =	vst v63  }
0x26: {  	s15 =	ssub.s32 $0x2, s15;
	_ =	strace $0x9000004C  }
0x27: {  	s14 =	simm.s32 $0x3;
	s16 =	sshrl.u32 s15, $0x1;
	_ =	strace $0x8000004D  }
0x28: {  	s16 =	ssub.s32 s15, s16;
	_ =	swait.ge [sflag:s14], $0x4000  }
0x29: {  	s16 =	smax.u32 s16, $0x1;
	[sflag:s14] =	ssyncset.done $0x0  }
0x2a: {  	p0 =	sne.s32 s16, $0x1;
	[sflag:s14] =	ssyncadd.s32 $0xFFFFC000  }
.Ltmp0:
0x2b: {  	_ =	strace $0x9000004D;
	(pc) =	sbr.rel @!p0 .LBB2_2-.Ltmp0, $4  }
0x2c: {  	s15 =	simm.s32 $0x4;
	_ =	strace $0x8000004E  }
0x2d: {  	_ =	swait.ge [sflag:s15], $0x4000  }
0x2e: {  	[sflag:s15] =	ssyncset.done $0x0  }
0x2f: {  	s16 =	sadd.s32 $0xFFFFFFFF, s16;
	[sflag:s15] =	ssyncadd.s32 $0xFFFFC000  }
.LBB2_1:
0x30: {  	p0 =	sne.s32 s16, $0x1;
	s16 =	sadd.s32 $0xFFFFFFFF, s16;
	_ =	strace $0x9000004E  }
0x31: {  	_ =	strace $0x80000048  }
0x32: {  	[tilespmem:s3], [sflag:$0x1] =	stream.linear.gather [hbm4b:s4+s3], $0x80, $0x200038;
	[tilespmem:$0x8100] =	vst v63  }
0x33: {  	_ =	strace $0x90000048  }
0x34: {  	_ =	strace $0x80000049  }
0x35: {  	[tilespmem:s6], [sflag:$0x2] =	stream.linear.gather [hbm4b:s5+s3], $0x80, $0x200038;
	[tilespmem:$0x8100] =	vst v63  }
0x36: {  	_ =	strace $0x90000049  }
0x37: {  	_ =	strace $0x8000004A  }
0x38: {  	_ =	swait.ge [sflag:s7], $0x80  }
0x39: {  	[sflag:s7] =	ssyncset.done $0x0  }
0x3a: {  	[sflag:s7] =	ssyncadd.s32 $0xFFFFFF80  }
0x3b: {  	_ =	strace $0x9000004A  }
0x3c: {  	_ =	strace $0x8000004B  }
0x3d: {  	[tilespmem:s8], [sflag:$0x5] =	stream.indirect.gather [hbm4b:s2+s6], $0x80, s3, s6, $0x2000b8;
	[tilespmem:$0x8100] =	vst v63  }
0x3e: {  	_ =	swait.ge [sflag:s9], $0x4000  }
0x3f: {  	[sflag:s9] =	ssyncset.done $0x0  }
0x40: {  	[sflag:s9] =	ssyncadd.s32 $0xFFFFC000  }
0x41: {  	_ =	strace $0x9000004B  }
0x42: {  	_ =	strace $0x8000004C  }
0x43: {  	[hbm4b:s10+s3] =	stream.linear.scatter [tilespmem:s8], [sflag:$0x3], $0x4000, $0x200038;
	[tilespmem:$0x8100] =	vst v63  }
0x44: {  	_ =	strace $0x9000004C  }
0x45: {  	_ =	strace $0x8000004A  }
0x46: {  	_ =	swait.ge [sflag:s11], $0x80  }
0x47: {  	[sflag:s11] =	ssyncset.done $0x0  }
0x48: {  	[sflag:s11] =	ssyncadd.s32 $0xFFFFFF80  }
0x49: {  	_ =	strace $0x9000004A  }
0x4a: {  	_ =	strace $0x8000004B  }
0x4b: {  	[tilespmem:s12], [sflag:$0x5] =	stream.indirect.gather [hbm4b:s2+s6], $0x80, s6, s6, $0x2000b8;
	[tilespmem:$0x8100] =	vst v63  }
0x4c: {  	_ =	swait.ge [sflag:s9], $0x4000  }
0x4d: {  	[sflag:s9] =	ssyncset.done $0x0  }
0x4e: {  	[sflag:s9] =	ssyncadd.s32 $0xFFFFC000  }
0x4f: {  	_ =	strace $0x9000004B  }
0x50: {  	_ =	strace $0x8000004C  }
0x51: {  	[hbm4b:s13+s3] =	stream.linear.scatter [tilespmem:s12], [sflag:$0x4], $0x4000, $0x200038;
	[tilespmem:$0x8100] =	vst v63  }
0x52: {  	_ =	strace $0x9000004C  }
0x53: {  	_ =	strace $0x8000004D  }
0x54: {  	_ =	swait.ge [sflag:s14], $0x4000  }
0x55: {  	[sflag:s14] =	ssyncset.done $0x0  }
0x56: {  	[sflag:s14] =	ssyncadd.s32 $0xFFFFC000  }
.Ltmp1:
0x57: {  	_ =	strace $0x9000004D;
	(pc) =	sbr.rel @p0 .LBB2_1-.Ltmp1, $4  }
0x58: {  	_ =	strace $0x8000004E  }
0x59: {  	_ =	swait.ge [sflag:s15], $0x4000  }
0x5a: {  	[sflag:s15] =	ssyncset.done $0x0  }
0x5b: {  	[sflag:s15] =	ssyncadd.s32 $0xFFFFC000  }
.LBB2_2:
0x5c: {  	_ =	strace $0x9000004E  }
0x5d: {  	_ =	sfence.sel $0x180000  }
0x5e: {  	[bflag:$0x0] =	sbarrier.arrive $0xFFFF  }
0x5f: {  	p0 =	sne.s32 s1, $0x0;
	_ =	strace $0x90000047  }
0x60: {  	s0 =	sadd.s32 @!p0 $0x100000, s0;
	[bflag:$0x2] =	sbarrier.arrive $0xFFFF  }
0x61: {  	[sflag:s0] =	ssyncadd.tile.s32 @!p0 $0x1;
	_ =	shalt  }
.Lfunc_end2:
_tile_overlayer_lowered:
.L_overlay_start_2:
0x62: {  	(tag) =	ssettag $0x2  }
0x63: {  	s0 =	rddreg [dreg:$0x0];
	s2 =	stileid.u32  }
0x64: {  	s1 =	rddreg [dreg:$0x1];
	p0 =	sne.s32 s2, $0x0  }
0x65: {  	s3 =	rddreg [dreg:$0x2];
	[bflag:$0x3] =	sbarrier.arrive $0xFFFF;
	s2 =	simm.s32 @!p0 $0x1C01  }
0x66: {  	[timem:s3], [sflag:s2] =	dma.local @!p0 [hbm:s0], s1  }
0x67: {  	s0 =	simm.s32 @!p0 $0x1  }
0x68: {  	_ =	swait.ge @!p0 [sflag:s0], s1  }
0x69: {  	s1 =	ssub.s32 @!p0 $0x0, s1;
	[sflag:s0] =	ssyncset.done @!p0 $0x0  }
0x6a: {  	[sflag:s0] =	ssyncadd.s32 @!p0 s1  }
0x6b: {  	[bflag:$0x3] =	sbarrier.arrive $0xFFFF  }
0x6c: {  	_ =	shalt  }

</sc_bundles>
